<compile_context>
chip_gen: v7x
topology: tpu7x:2x2x1
jax: 0.10.2.dev20260603
libtpu: 0.0.44.dev20260713+nightly
codegen_flags: <defaults>
</compile_context>

<pallas_src>
import functools

import jax
import jax.numpy as jnp
from jax import lax
from jax.experimental import pallas as pl
from jax.experimental.pallas import tpu as pltpu
from jax.experimental.pallas import tpu_sc as plsc

N = 100000
C = 20
S = 1000
ALPHA = 0.5

BR = 2048
GRID_A = 28
GRID_B = 21
SPLIT_A = GRID_A * BR

SEGP = 1024
NW = 32
NEG = -3.0e38



def _ce_body(x_ref, t_ref, o_ref):
    x = x_ref[...]
    se = jnp.sum(jnp.exp(x), axis=0)
    t = t_ref[...].reshape(1, BR)
    sub = lax.broadcasted_iota(jnp.int32, (C, BR), 0)
    tl = jnp.sum(jnp.where(sub == t, x, 0.0), axis=0)
    yi = se.view(jnp.int32)
    ef = ((yi >> 23) - 127).astype(jnp.float32)
    m = ((yi & 0x7FFFFF) | 0x3F800000).view(jnp.float32)
    pz = jnp.float32(-0.054862853)
    pz = pz * m + 0.43586185
    pz = pz * m - 1.4424810
    pz = pz * m + 2.7922552
    pz = pz * m - 1.7306317
    loss = 0.6931472 * ef + pz - tl
    o_ref[...] = loss.reshape(16, 128)


def _make_ce(grid, blk0, out_rows):
    return pl.pallas_call(
        _ce_body,
        grid=(grid,),
        in_specs=[
            pl.BlockSpec((C, BR), lambda i: (0, i + blk0)),
            pl.BlockSpec((BR,), lambda i: (i + blk0,)),
        ],
        out_specs=pl.BlockSpec((16, 128), lambda i: (i, 0)),
        out_shape=jax.ShapeDtypeStruct((out_rows, 128), jnp.float32),
    )


_tc_ce_a = _make_ce(GRID_A, 0, 456)
_tc_ce_b = _make_ce(GRID_B, GRID_A, 344)


_MESH = plsc.VectorSubcoreMesh(core_axis_name="c", subcore_axis_name="s")


def _make_sc_seg(row_base, chunk, valid_rows):
    ng = chunk // 16
    last_rows = valid_rows - (NW - 1) * chunk
    ng_last = last_rows // 16
    uniform = last_rows == chunk

    def body(loss_hbm, cid_hbm, out_sum, out_max, lv, cid_v, ssum, smax):
        cid_core = lax.axis_index("c")
        sid = lax.axis_index("s")
        wid = sid * 2 + cid_core
        is_last = wid == NW - 1
        not_last = jnp.logical_not(is_last)
        rows0 = wid * chunk

        iota = lax.broadcasted_iota(jnp.int32, (16,), 0)
        zeros16 = jnp.zeros((16,), jnp.float32)
        negs16 = jnp.full((16,), NEG, jnp.float32)

        def init_body(i, carry):
            ssum[pl.ds(i * 16, 16)] = zeros16
            smax[pl.ds(i * 16, 16)] = negs16
            return carry

        lax.fori_loop(0, SEGP // 16, init_body, 0)

        asta = (rows0 >> 7) // 8 * 8
        delta = rows0 - asta * 128
        pltpu.sync_copy(loss_hbm.at[pl.ds(asta, 24), :], lv)

        if uniform:
            pltpu.sync_copy(
                cid_hbm.at[pl.ds(row_base + rows0, chunk)], cid_v)
        else:
            @pl.when(not_last)
            def _():
                pltpu.sync_copy(
                    cid_hbm.at[pl.ds(row_base + rows0, chunk)], cid_v)

            @pl.when(is_last)
            def _():
                pltpu.sync_copy(
                    cid_hbm.at[pl.ds(row_base + (NW - 1) * chunk, last_rows)],
                    cid_v.at[pl.ds(0, last_rows)])

        _dnums = lax.GatherDimensionNumbers(
            offset_dims=(), collapsed_slice_dims=(0,), start_index_map=(0,))

        def lane_take(x, idx):
            return lax.gather(x, idx[:, None], _dnums, (1,),
                              mode=lax.GatherScatterMode.PROMISE_IN_BOUNDS)

        def group_body(g, carry):
            off = delta + g * 16 + iota
            loss = plsc.load_gather(lv, [off >> 7, off & 127])
            ids = cid_v[pl.ds(g * 16, 16)]
            plsc.addupdate_scatter(ssum, [ids], loss)
            rm = loss
            for d in (1, 2, 4, 8):
                idx = jnp.maximum(iota - d, 0)
                same = jnp.logical_and(
                    lane_take(ids, idx) == ids, iota >= d)
                rm = jnp.maximum(
                    rm, jnp.where(same, lane_take(rm, idx), NEG))
            nxt = jnp.minimum(iota + 1, 15)
            lastm = jnp.logical_or(lane_take(ids, nxt) != ids, iota == 15)
            cm = plsc.load_gather(smax, [ids])
            plsc.store_scatter(smax, [ids], jnp.maximum(cm, rm), mask=lastm)
            return carry

        if uniform:
            lax.fori_loop(0, ng, group_body, 0)
        else:
            @pl.when(not_last)
            def _():
                lax.fori_loop(0, ng, group_body, 0)

            @pl.when(is_last)
            def _():
                lax.fori_loop(0, ng_last, group_body, 0)

        pltpu.sync_copy(ssum, out_sum.at[wid])
        pltpu.sync_copy(smax, out_max.at[wid])

    return functools.partial(
        pl.kernel,
        out_type=(jax.ShapeDtypeStruct((NW, SEGP), jnp.float32),
                  jax.ShapeDtypeStruct((NW, SEGP), jnp.float32)),
        mesh=_MESH,
        compiler_params=pltpu.CompilerParams(needs_layout_passes=False),
        scratch_types=[
            pltpu.VMEM((24, 128), jnp.float32),
            pltpu.VMEM((chunk,), jnp.int32),
            pltpu.VMEM((SEGP,), jnp.float32),
            pltpu.VMEM((SEGP,), jnp.float32),
        ],
    )(body)


_sc_seg_a = _make_sc_seg(0, 1792, SPLIT_A)
_sc_seg_b = _make_sc_seg(SPLIT_A, 1344, N - SPLIT_A)



def _tc_body(sa_ref, ma_ref, sb_ref, mb_ref, o_ref):
    s = jnp.sum(sa_ref[...], axis=0) + jnp.sum(sb_ref[...], axis=0)
    m = jnp.maximum(jnp.max(ma_ref[...], axis=0), jnp.max(mb_ref[...], axis=0))
    ci = jnp.max(lax.broadcasted_iota(jnp.int32, (NW, SEGP), 1), axis=0)
    msk = jnp.logical_and(m > -1.0e30, ci < S)
    comb = ALPHA * s + (1.0 - ALPHA) * m
    total = jnp.sum(jnp.where(msk, comb, 0.0))
    n = jnp.maximum(jnp.sum(msk.astype(jnp.float32)), 1.0)
    o_ref[0, 0] = total / n


_tc_combine = pl.pallas_call(
    _tc_body,
    out_shape=jax.ShapeDtypeStruct((1, 1), jnp.float32),
    out_specs=pl.BlockSpec(memory_space=pltpu.SMEM),
)


def kernel(logits, targets, complex_id):
    lt = logits.T
    la = _tc_ce_a(lt, targets)
    sa, ma = _sc_seg_a(la, complex_id)
    lb = _tc_ce_b(lt, targets)
    sb, mb = _sc_seg_b(lb, complex_id)
    out = _tc_combine(sa, ma, sb, mb)
    return out[0, 0]

# --- scband reference (transcript-rebuilt; emitter-appended) ---
"""Pipeline reference for scband-complex-loss-14620068676244 (READ-ONLY COPY).

The authoritative reference and input builder live on the scoring server;
editing this copy changes nothing except your own understanding.
"""

import jax, jax.numpy as jnp
import numpy as np

N = 100000
C = 20
S = 1000  # number of complexes (fill_max of complex_id)
ALPHA = 0.5


def setup_inputs(seed: int = 0) -> dict:
    key = jax.random.key(seed)
    k1, k2, k3 = jax.random.split(key, 3)
    logits = jax.random.normal(k1, (N, C), dtype=jnp.float32)
    targets = jax.random.randint(k2, (N,), 0, C, dtype=jnp.int32)
    complex_id = jnp.sort(jax.random.randint(k3, (N,), 0, S, dtype=jnp.int32))
    return {"logits": logits, "targets": targets, "complex_id": complex_id}


def reference(logits, targets, complex_id):
    # per-node cross-entropy (no class weights, use_focal=False)
    logp = jax.nn.log_softmax(logits, axis=-1)
    node_losses = -jnp.take_along_axis(logp, targets[:, None], axis=1)[:, 0]
    # group by complex: alpha * (mean * len) + (1 - alpha) * max == alpha * sum + (1 - alpha) * max
    seg_sum = jax.ops.segment_sum(node_losses, complex_id, num_segments=S)
    seg_max = jax.ops.segment_max(node_losses, complex_id, num_segments=S)
    counts = jax.ops.segment_sum(jnp.ones_like(node_losses), complex_id, num_segments=S)
    mask = counts > 0
    seg_max = jnp.where(mask, seg_max, 0.0)
    combined = ALPHA * seg_sum + (1.0 - ALPHA) * seg_max
    n_nonempty = jnp.maximum(jnp.sum(mask.astype(jnp.float32)), 1.0)
    return jnp.sum(jnp.where(mask, combined, 0.0)) / n_nonempty

if __name__ == "__main__":
    import jax
    _d = setup_inputs()
    print(jax.jit(kernel)(*tuple(_d.values())))

</pallas_src>

<mosaic_0001>
#map = affine_map<(d0, d1) -> (0, 0)>
#map1 = affine_map<(d0, d1) -> (0)>
module attributes {stable_mosaic.version = 14 : i64} {
  func.func @body(%arg0: i32, %arg1: i32, %arg2: memref<344x128xf32, #tpu.memory_space<hbm>>, %arg3: memref<100000xi32, #tpu.memory_space<hbm>>, %arg4: memref<32x1024xf32, #tpu.memory_space<hbm>>, %arg5: memref<32x1024xf32, #tpu.memory_space<hbm>>, %arg6: memref<24x128xf32, #tpu.memory_space<vmem>>, %arg7: memref<1344xi32, #tpu.memory_space<vmem>>, %arg8: memref<1024xf32, #tpu.memory_space<vmem>>, %arg9: memref<1024xf32, #tpu.memory_space<vmem>>) attributes {dimension_semantics = [#tpu.dimension_semantics<core_parallel>, #tpu.dimension_semantics<subcore_parallel>], iteration_bounds = array<i64: 2, 16>, scalar_prefetch = 0 : i64, scratch_operands = 4 : i64, tpu.core_type = #tpu.core_type<sc_vector_subcore>, window_params = [{transform_indices = #map}, {transform_indices = #map1}, {transform_indices = #map}, {transform_indices = #map}]} {
    %mul3A = arith.constant 2 : i32
    %mul3A_0 = arith.muli %arg1, %mul3A : i32
    %add3A = arith.addi %mul3A_0, %arg0 : i32
    %eq3A = arith.constant 31 : i32
    %eq3A_1 = arith.cmpi eq, %add3A, %eq3A : i32
    %not3A = arith.constant true
    %not3A_2 = arith.xori %eq3A_1, %not3A : i1
    %mul3A_3 = arith.constant 1344 : i32
    %mul3A_4 = arith.muli %add3A, %mul3A_3 : i32
    %iota3A = tpu.iota {dimensions = array<i32: 0>} : vector<16xi32>
    %broadcast_in_dim3A = arith.constant 0.000000e+00 : f32
    %broadcast_in_dim3A_5 = vector.broadcast %broadcast_in_dim3A : f32 to vector<16xf32>
    %broadcast_in_dim3A_6 = arith.constant -3.000000e+38 : f32
    %broadcast_in_dim3A_7 = vector.broadcast %broadcast_in_dim3A_6 : f32 to vector<16xf32>
    %scan3A = arith.constant 0 : i32
    %scan3A_8 = arith.constant 0 : i32
    %scan3A_9 = arith.constant 64 : i32
    %scan3A_10 = arith.addi %scan3A_8, %scan3A_9 : i32
    %scan3A_11 = arith.constant 1 : i32
    scf.for %scan3A_45 = %scan3A_8 to %scan3A_10 step %scan3A_11  : i32 {
      %mul3A_46 = arith.constant 16 : i32
      %mul3A_47 = arith.muli %scan3A_45, %mul3A_46 : i32
      %swap3A = arith.index_cast %mul3A_47 : i32 to index
      %swap3A_48 = tpu.vector_load %arg8[%swap3A] {strides = array<i32>} : memref<1024xf32, #tpu.memory_space<vmem>>, vector<16xf32>,
      tpu.vector_store %arg8[%swap3A], %broadcast_in_dim3A_5 {strides = array<i32>} : memref<1024xf32, #tpu.memory_space<vmem>>, vector<16xf32>,
      %mul3A_49 = arith.constant 16 : i32
      %mul3A_50 = arith.muli %scan3A_45, %mul3A_49 : i32
      %swap3A_51 = arith.index_cast %mul3A_50 : i32 to index
      %swap3A_52 = tpu.vector_load %arg9[%swap3A_51] {strides = array<i32>} : memref<1024xf32, #tpu.memory_space<vmem>>, vector<16xf32>,
      tpu.vector_store %arg9[%swap3A_51], %broadcast_in_dim3A_7 {strides = array<i32>} : memref<1024xf32, #tpu.memory_space<vmem>>, vector<16xf32>,
    }
    %scan3A_12 = arith.constant 64 : i32
    %shift_right_arithmetic3A = arith.constant 7 : i32
    %shift_right_arithmetic3A_13 = arith.shrsi %mul3A_4, %shift_right_arithmetic3A : i32
    %jit3A = arith.constant 8 : i32
    %div3A = arith.divsi %shift_right_arithmetic3A_13, %jit3A : i32
    %sign3A = arith.constant 0 : i32
    %sign3A_14 = arith.cmpi sgt, %shift_right_arithmetic3A_13, %sign3A : i32
    %sign3A_15 = arith.extui %sign3A_14 : i1 to i32
    %sign3A_16 = arith.constant 0 : i32
    %sign3A_17 = arith.cmpi slt, %shift_right_arithmetic3A_13, %sign3A_16 : i32
    %sign3A_18 = arith.extui %sign3A_17 : i1 to i32
    %sign3A_19 = arith.subi %sign3A_15, %sign3A_18 : i32
    %sign3A_20 = arith.constant 0 : i32
    %sign3A_21 = arith.cmpi sgt, %jit3A, %sign3A_20 : i32
    %sign3A_22 = arith.extui %sign3A_21 : i1 to i32
    %sign3A_23 = arith.constant 0 : i32
    %sign3A_24 = arith.cmpi slt, %jit3A, %sign3A_23 : i32
    %sign3A_25 = arith.extui %sign3A_24 : i1 to i32
    %sign3A_26 = arith.subi %sign3A_22, %sign3A_25 : i32
    %ne3A = arith.cmpi ne, %sign3A_19, %sign3A_26 : i32
    %rem3A = arith.remsi %shift_right_arithmetic3A_13, %jit3A : i32
    %ne3A_27 = arith.constant 0 : i32
    %ne3A_28 = arith.cmpi ne, %rem3A, %ne3A_27 : i32
    %and3A = arith.andi %ne3A, %ne3A_28 : i1
    %sub3A = arith.constant 1 : i32
    %sub3A_29 = arith.subi %div3A, %sub3A : i32
    %select_n3A = arith.select %and3A, %sub3A_29, %div3A : i32
    %mul3A_30 = arith.constant 8 : i32
    %mul3A_31 = arith.muli %select_n3A, %mul3A_30 : i32
    %mul3A_32 = arith.constant 128 : i32
    %mul3A_33 = arith.muli %mul3A_31, %mul3A_32 : i32
    %sub3A_34 = arith.subi %mul3A_4, %mul3A_33 : i32
    "tpu.region"() ({
      %run_scoped3A = tpu.sem_alloc : memref<!tpu.dma_semaphore, #tpu.memory_space<semaphore_mem>>
      %dma_start3A = arith.constant 0 : i32
      %dma_start3A_45 = tpu.memref_slice %arg2[%mul3A_31, %dma_start3A] : memref<344x128xf32, #tpu.memory_space<hbm>> -> memref<24x128xf32, #tpu.memory_space<hbm>>
      %dma_start3A_46 = arith.constant 0 : i32
      %dma_start3A_47 = tpu.memref_slice %arg2[%mul3A_31, %dma_start3A_46] : memref<344x128xf32, #tpu.memory_space<hbm>> -> memref<24x128xf32, #tpu.memory_space<hbm>>
      tpu.enqueue_dma source(%dma_start3A_47 : memref<24x128xf32, #tpu.memory_space<hbm>>) target(%arg6 : memref<24x128xf32, #tpu.memory_space<vmem>>) target_semaphore(%run_scoped3A : memref<!tpu.dma_semaphore, #tpu.memory_space<semaphore_mem>>)
      %dma_wait3A = arith.constant 0 : i32
      %dma_wait3A_48 = tpu.memref_slice %arg2[%mul3A_31, %dma_wait3A] : memref<344x128xf32, #tpu.memory_space<hbm>> -> memref<24x128xf32, #tpu.memory_space<hbm>>
      %dma_wait3A_49 = arith.constant 0 : i32
      %dma_wait3A_50 = tpu.memref_slice %arg2[%mul3A_31, %dma_wait3A_49] : memref<344x128xf32, #tpu.memory_space<hbm>> -> memref<24x128xf32, #tpu.memory_space<hbm>>
      tpu.wait_dma2 semaphore(%run_scoped3A : memref<!tpu.dma_semaphore, #tpu.memory_space<semaphore_mem>>) src(%dma_wait3A_50 : memref<24x128xf32, #tpu.memory_space<hbm>>) dst(%arg6 : memref<24x128xf32, #tpu.memory_space<vmem>>)
      tpu.yield
    }) : () -> ()
    %convert_element_type3A = arith.extui %not3A_2 : i1 to i32
    %cond3A = arith.constant 0 : i32
    %cond3A_35 = arith.cmpi ne, %convert_element_type3A, %cond3A : i32
    scf.if %cond3A_35 {
      %add3A_45 = arith.constant 57344 : i32
      %add3A_46 = arith.addi %add3A_45, %mul3A_4 : i32
      "tpu.region"() ({
        %run_scoped3A = tpu.sem_alloc : memref<!tpu.dma_semaphore, #tpu.memory_space<semaphore_mem>>
        %dma_start3A = tpu.memref_slice %arg3[%add3A_46] : memref<100000xi32, #tpu.memory_space<hbm>> -> memref<1344xi32, #tpu.memory_space<hbm>>
        %dma_start3A_47 = tpu.memref_slice %arg3[%add3A_46] : memref<100000xi32, #tpu.memory_space<hbm>> -> memref<1344xi32, #tpu.memory_space<hbm>>
        tpu.enqueue_dma source(%dma_start3A_47 : memref<1344xi32, #tpu.memory_space<hbm>>) target(%arg7 : memref<1344xi32, #tpu.memory_space<vmem>>) target_semaphore(%run_scoped3A : memref<!tpu.dma_semaphore, #tpu.memory_space<semaphore_mem>>)
        %dma_wait3A = tpu.memref_slice %arg3[%add3A_46] : memref<100000xi32, #tpu.memory_space<hbm>> -> memref<1344xi32, #tpu.memory_space<hbm>>
        %dma_wait3A_48 = tpu.memref_slice %arg3[%add3A_46] : memref<100000xi32, #tpu.memory_space<hbm>> -> memref<1344xi32, #tpu.memory_space<hbm>>
        tpu.wait_dma2 semaphore(%run_scoped3A : memref<!tpu.dma_semaphore, #tpu.memory_space<semaphore_mem>>) src(%dma_wait3A_48 : memref<1344xi32, #tpu.memory_space<hbm>>) dst(%arg7 : memref<1344xi32, #tpu.memory_space<vmem>>)
        tpu.yield
      }) : () -> ()
    } else {
    }
    %convert_element_type3A_36 = arith.extui %eq3A_1 : i1 to i32
    %cond3A_37 = arith.constant 0 : i32
    %cond3A_38 = arith.cmpi ne, %convert_element_type3A_36, %cond3A_37 : i32
    scf.if %cond3A_38 {
      "tpu.region"() ({
        %run_scoped3A = tpu.sem_alloc : memref<!tpu.dma_semaphore, #tpu.memory_space<semaphore_mem>>
        %dma_start3A = arith.constant 0 : i32
        %dma_start3A_45 = tpu.memref_slice %arg7[%dma_start3A] : memref<1344xi32, #tpu.memory_space<vmem>> -> memref<992xi32, #tpu.memory_space<vmem>>
        %dma_start3A_46 = arith.constant 99008 : i32
        %dma_start3A_47 = tpu.memref_slice %arg3[%dma_start3A_46] : memref<100000xi32, #tpu.memory_space<hbm>> -> memref<992xi32, #tpu.memory_space<hbm>>
        %dma_start3A_48 = arith.constant 0 : i32
        %dma_start3A_49 = tpu.memref_slice %arg7[%dma_start3A_48] : memref<1344xi32, #tpu.memory_space<vmem>> -> memref<992xi32, #tpu.memory_space<vmem>>
        %dma_start3A_50 = arith.constant 99008 : i32
        %dma_start3A_51 = tpu.memref_slice %arg3[%dma_start3A_50] : memref<100000xi32, #tpu.memory_space<hbm>> -> memref<992xi32, #tpu.memory_space<hbm>>
        tpu.enqueue_dma source(%dma_start3A_51 : memref<992xi32, #tpu.memory_space<hbm>>) target(%dma_start3A_49 : memref<992xi32, #tpu.memory_space<vmem>>) target_semaphore(%run_scoped3A : memref<!tpu.dma_semaphore, #tpu.memory_space<semaphore_mem>>)
        %dma_wait3A = arith.constant 0 : i32
        %dma_wait3A_52 = tpu.memref_slice %arg7[%dma_wait3A] : memref<1344xi32, #tpu.memory_space<vmem>> -> memref<992xi32, #tpu.memory_space<vmem>>
        %dma_wait3A_53 = arith.constant 99008 : i32
        %dma_wait3A_54 = tpu.memref_slice %arg3[%dma_wait3A_53] : memref<100000xi32, #tpu.memory_space<hbm>> -> memref<992xi32, #tpu.memory_space<hbm>>
        %dma_wait3A_55 = arith.constant 0 : i32
        %dma_wait3A_56 = tpu.memref_slice %arg7[%dma_wait3A_55] : memref<1344xi32, #tpu.memory_space<vmem>> -> memref<992xi32, #tpu.memory_space<vmem>>
        %dma_wait3A_57 = arith.constant 99008 : i32
        %dma_wait3A_58 = tpu.memref_slice %arg3[%dma_wait3A_57] : memref<100000xi32, #tpu.memory_space<hbm>> -> memref<992xi32, #tpu.memory_space<hbm>>
        tpu.wait_dma2 semaphore(%run_scoped3A : memref<!tpu.dma_semaphore, #tpu.memory_space<semaphore_mem>>) src(%dma_wait3A_58 : memref<992xi32, #tpu.memory_space<hbm>>) dst(%dma_wait3A_56 : memref<992xi32, #tpu.memory_space<vmem>>)
        tpu.yield
      }) : () -> ()
    } else {
    }
    %convert_element_type3A_39 = arith.extui %not3A_2 : i1 to i32
    %cond3A_40 = arith.constant 0 : i32
    %cond3A_41 = arith.cmpi ne, %convert_element_type3A_39, %cond3A_40 : i32
    scf.if %cond3A_41 {
      %scan3A_45 = arith.constant 0 : i32
      %scan3A_46 = arith.constant 0 : i32
      %scan3A_47 = arith.constant 84 : i32
      %scan3A_48 = arith.addi %scan3A_46, %scan3A_47 : i32
      %scan3A_49 = arith.constant 1 : i32
      scf.for %scan3A_51 = %scan3A_46 to %scan3A_48 step %scan3A_49  : i32 {
        %mul3A_52 = arith.constant 16 : i32
        %mul3A_53 = arith.muli %scan3A_51, %mul3A_52 : i32
        %add3A_54 = arith.addi %sub3A_34, %mul3A_53 : i32
        %add3A_55 = vector.broadcast %add3A_54 : i32 to vector<16xi32>
        %add3A_56 = arith.addi %add3A_55, %iota3A : vector<16xi32>
        %shift_right_arithmetic3A_57 = arith.constant 7 : i32
        %shift_right_arithmetic3A_58 = vector.broadcast %shift_right_arithmetic3A_57 : i32 to vector<16xi32>
        %shift_right_arithmetic3A_59 = arith.shrsi %add3A_56, %shift_right_arithmetic3A_58 : vector<16xi32>
        %and3A_60 = arith.constant 127 : i32
        %and3A_61 = vector.broadcast %and3A_60 : i32 to vector<16xi32>
        %and3A_62 = arith.andi %add3A_56, %and3A_61 : vector<16xi32>
        %gather3A = tpu.vector_load_idx %arg6[%shift_right_arithmetic3A_59, %and3A_62] : memref<24x128xf32, #tpu.memory_space<vmem>>[vector<16xi32>, vector<16xi32>], vector<16xf32>,
        %mul3A_63 = arith.constant 16 : i32
        %mul3A_64 = arith.muli %scan3A_51, %mul3A_63 : i32
        %get3A = arith.index_cast %mul3A_64 : i32 to index
        %get3A_65 = tpu.vector_load %arg7[%get3A] {strides = array<i32>} : memref<1344xi32, #tpu.memory_space<vmem>>, vector<16xi32>,
        tpu.vector_store_idx %arg8[%get3A_65], %gather3A {add = true} : memref<1024xf32, #tpu.memory_space<vmem>>[vector<16xi32>], vector<16xf32>,
        %sub3A_66 = arith.constant 1 : i32
        %sub3A_67 = vector.broadcast %sub3A_66 : i32 to vector<16xi32>
        %sub3A_68 = arith.subi %iota3A, %sub3A_67 : vector<16xi32>
        %max3A = arith.constant 0 : i32
        %max3A_69 = vector.broadcast %max3A : i32 to vector<16xi32>
        %max3A_70 = arith.maxsi %sub3A_68, %max3A_69 : vector<16xi32>
        %broadcast_in_dim3A_71 = vector.shape_cast %max3A_70 : vector<16xi32> to vector<16x1xi32>
        %gather3A_72 = vector.shape_cast %broadcast_in_dim3A_71 : vector<16x1xi32> to vector<16xi32>
        %gather3A_73 = tpu.dynamic_gather %get3A_65[%gather3A_72] in [0] : vector<16xi32>, vector<16xi32> -> vector<16xi32>
        %eq3A_74 = arith.cmpi eq, %gather3A_73, %get3A_65 : vector<16xi32>
        %ge3A = arith.constant 1 : i32
        %ge3A_75 = vector.broadcast %ge3A : i32 to vector<16xi32>
        %ge3A_76 = arith.cmpi sge, %iota3A, %ge3A_75 : vector<16xi32>
        %and3A_77 = arith.andi %eq3A_74, %ge3A_76 : vector<16xi1>
        %broadcast_in_dim3A_78 = vector.shape_cast %max3A_70 : vector<16xi32> to vector<16x1xi32>
        %gather3A_79 = vector.shape_cast %broadcast_in_dim3A_78 : vector<16x1xi32> to vector<16xi32>
        %gather3A_80 = tpu.dynamic_gather %gather3A[%gather3A_79] in [0] : vector<16xf32>, vector<16xi32> -> vector<16xf32>
        %jit3A_81 = arith.constant -3.000000e+38 : f32
        %broadcast_in_dim3A_82 = vector.broadcast %jit3A_81 : f32 to vector<16xf32>
        %select_n3A_83 = arith.select %and3A_77, %gather3A_80, %broadcast_in_dim3A_82 : vector<16xi1>, vector<16xf32>
        %max3A_84 = arith.maximumf %gather3A, %select_n3A_83 : vector<16xf32>
        %sub3A_85 = arith.constant 2 : i32
        %sub3A_86 = vector.broadcast %sub3A_85 : i32 to vector<16xi32>
        %sub3A_87 = arith.subi %iota3A, %sub3A_86 : vector<16xi32>
        %max3A_88 = arith.constant 0 : i32
        %max3A_89 = vector.broadcast %max3A_88 : i32 to vector<16xi32>
        %max3A_90 = arith.maxsi %sub3A_87, %max3A_89 : vector<16xi32>
        %broadcast_in_dim3A_91 = vector.shape_cast %max3A_90 : vector<16xi32> to vector<16x1xi32>
        %gather3A_92 = vector.shape_cast %broadcast_in_dim3A_91 : vector<16x1xi32> to vector<16xi32>
        %gather3A_93 = tpu.dynamic_gather %get3A_65[%gather3A_92] in [0] : vector<16xi32>, vector<16xi32> -> vector<16xi32>
        %eq3A_94 = arith.cmpi eq, %gather3A_93, %get3A_65 : vector<16xi32>
        %ge3A_95 = arith.constant 2 : i32
        %ge3A_96 = vector.broadcast %ge3A_95 : i32 to vector<16xi32>
        %ge3A_97 = arith.cmpi sge, %iota3A, %ge3A_96 : vector<16xi32>
        %and3A_98 = arith.andi %eq3A_94, %ge3A_97 : vector<16xi1>
        %broadcast_in_dim3A_99 = vector.shape_cast %max3A_90 : vector<16xi32> to vector<16x1xi32>
        %gather3A_100 = vector.shape_cast %broadcast_in_dim3A_99 : vector<16x1xi32> to vector<16xi32>
        %gather3A_101 = tpu.dynamic_gather %max3A_84[%gather3A_100] in [0] : vector<16xf32>, vector<16xi32> -> vector<16xf32>
        %jit3A_102 = arith.constant -3.000000e+38 : f32
        %broadcast_in_dim3A_103 = vector.broadcast %jit3A_102 : f32 to vector<16xf32>
        %select_n3A_104 = arith.select %and3A_98, %gather3A_101, %broadcast_in_dim3A_103 : vector<16xi1>, vector<16xf32>
        %max3A_105 = arith.maximumf %max3A_84, %select_n3A_104 : vector<16xf32>
        %sub3A_106 = arith.constant 4 : i32
        %sub3A_107 = vector.broadcast %sub3A_106 : i32 to vector<16xi32>
        %sub3A_108 = arith.subi %iota3A, %sub3A_107 : vector<16xi32>
        %max3A_109 = arith.constant 0 : i32
        %max3A_110 = vector.broadcast %max3A_109 : i32 to vector<16xi32>
        %max3A_111 = arith.maxsi %sub3A_108, %max3A_110 : vector<16xi32>
        %broadcast_in_dim3A_112 = vector.shape_cast %max3A_111 : vector<16xi32> to vector<16x1xi32>
        %gather3A_113 = vector.shape_cast %broadcast_in_dim3A_112 : vector<16x1xi32> to vector<16xi32>
        %gather3A_114 = tpu.dynamic_gather %get3A_65[%gather3A_113] in [0] : vector<16xi32>, vector<16xi32> -> vector<16xi32>
        %eq3A_115 = arith.cmpi eq, %gather3A_114, %get3A_65 : vector<16xi32>
        %ge3A_116 = arith.constant 4 : i32
        %ge3A_117 = vector.broadcast %ge3A_116 : i32 to vector<16xi32>
        %ge3A_118 = arith.cmpi sge, %iota3A, %ge3A_117 : vector<16xi32>
        %and3A_119 = arith.andi %eq3A_115, %ge3A_118 : vector<16xi1>
        %broadcast_in_dim3A_120 = vector.shape_cast %max3A_111 : vector<16xi32> to vector<16x1xi32>
        %gather3A_121 = vector.shape_cast %broadcast_in_dim3A_120 : vector<16x1xi32> to vector<16xi32>
        %gather3A_122 = tpu.dynamic_gather %max3A_105[%gather3A_121] in [0] : vector<16xf32>, vector<16xi32> -> vector<16xf32>
        %jit3A_123 = arith.constant -3.000000e+38 : f32
        %broadcast_in_dim3A_124 = vector.broadcast %jit3A_123 : f32 to vector<16xf32>
        %select_n3A_125 = arith.select %and3A_119, %gather3A_122, %broadcast_in_dim3A_124 : vector<16xi1>, vector<16xf32>
        %max3A_126 = arith.maximumf %max3A_105, %select_n3A_125 : vector<16xf32>
        %sub3A_127 = arith.constant 8 : i32
        %sub3A_128 = vector.broadcast %sub3A_127 : i32 to vector<16xi32>
        %sub3A_129 = arith.subi %iota3A, %sub3A_128 : vector<16xi32>
        %max3A_130 = arith.constant 0 : i32
        %max3A_131 = vector.broadcast %max3A_130 : i32 to vector<16xi32>
        %max3A_132 = arith.maxsi %sub3A_129, %max3A_131 : vector<16xi32>
        %broadcast_in_dim3A_133 = vector.shape_cast %max3A_132 : vector<16xi32> to vector<16x1xi32>
        %gather3A_134 = vector.shape_cast %broadcast_in_dim3A_133 : vector<16x1xi32> to vector<16xi32>
        %gather3A_135 = tpu.dynamic_gather %get3A_65[%gather3A_134] in [0] : vector<16xi32>, vector<16xi32> -> vector<16xi32>
        %eq3A_136 = arith.cmpi eq, %gather3A_135, %get3A_65 : vector<16xi32>
        %ge3A_137 = arith.constant 8 : i32
        %ge3A_138 = vector.broadcast %ge3A_137 : i32 to vector<16xi32>
        %ge3A_139 = arith.cmpi sge, %iota3A, %ge3A_138 : vector<16xi32>
        %and3A_140 = arith.andi %eq3A_136, %ge3A_139 : vector<16xi1>
        %broadcast_in_dim3A_141 = vector.shape_cast %max3A_132 : vector<16xi32> to vector<16x1xi32>
        %gather3A_142 = vector.shape_cast %broadcast_in_dim3A_141 : vector<16x1xi32> to vector<16xi32>
        %gather3A_143 = tpu.dynamic_gather %max3A_126[%gather3A_142] in [0] : vector<16xf32>, vector<16xi32> -> vector<16xf32>
        %jit3A_144 = arith.constant -3.000000e+38 : f32
        %broadcast_in_dim3A_145 = vector.broadcast %jit3A_144 : f32 to vector<16xf32>
        %select_n3A_146 = arith.select %and3A_140, %gather3A_143, %broadcast_in_dim3A_145 : vector<16xi1>, vector<16xf32>
        %max3A_147 = arith.maximumf %max3A_126, %select_n3A_146 : vector<16xf32>
        %add3A_148 = arith.constant 1 : i32
        %add3A_149 = vector.broadcast %add3A_148 : i32 to vector<16xi32>
        %add3A_150 = arith.addi %iota3A, %add3A_149 : vector<16xi32>
        %min3A = arith.constant 15 : i32
        %min3A_151 = vector.broadcast %min3A : i32 to vector<16xi32>
        %min3A_152 = arith.minsi %add3A_150, %min3A_151 : vector<16xi32>
        %broadcast_in_dim3A_153 = vector.shape_cast %min3A_152 : vector<16xi32> to vector<16x1xi32>
        %gather3A_154 = vector.shape_cast %broadcast_in_dim3A_153 : vector<16x1xi32> to vector<16xi32>
        %gather3A_155 = tpu.dynamic_gather %get3A_65[%gather3A_154] in [0] : vector<16xi32>, vector<16xi32> -> vector<16xi32>
        %ne3A_156 = arith.cmpi ne, %gather3A_155, %get3A_65 : vector<16xi32>
        %eq3A_157 = arith.constant 15 : i32
        %eq3A_158 = vector.broadcast %eq3A_157 : i32 to vector<16xi32>
        %eq3A_159 = arith.cmpi eq, %iota3A, %eq3A_158 : vector<16xi32>
        %or3A = arith.ori %ne3A_156, %eq3A_159 : vector<16xi1>
        %gather3A_160 = tpu.vector_load_idx %arg9[%get3A_65] : memref<1024xf32, #tpu.memory_space<vmem>>[vector<16xi32>], vector<16xf32>,
        %max3A_161 = arith.maximumf %gather3A_160, %max3A_147 : vector<16xf32>
        tpu.vector_store_idx %arg9[%get3A_65], %max3A_161 masked %or3A : memref<1024xf32, #tpu.memory_space<vmem>>[vector<16xi32>], vector<16xf32>, vector<16xi1>
      }
      %scan3A_50 = arith.constant 84 : i32
    } else {
    }
    %convert_element_type3A_42 = arith.extui %eq3A_1 : i1 to i32
    %cond3A_43 = arith.constant 0 : i32
    %cond3A_44 = arith.cmpi ne, %convert_element_type3A_42, %cond3A_43 : i32
    scf.if %cond3A_44 {
      %scan3A_45 = arith.constant 0 : i32
      %scan3A_46 = arith.constant 0 : i32
      %scan3A_47 = arith.constant 62 : i32
      %scan3A_48 = arith.addi %scan3A_46, %scan3A_47 : i32
      %scan3A_49 = arith.constant 1 : i32
      scf.for %scan3A_51 = %scan3A_46 to %scan3A_48 step %scan3A_49  : i32 {
        %mul3A_52 = arith.constant 16 : i32
        %mul3A_53 = arith.muli %scan3A_51, %mul3A_52 : i32
        %add3A_54 = arith.addi %sub3A_34, %mul3A_53 : i32
        %add3A_55 = vector.broadcast %add3A_54 : i32 to vector<16xi32>
        %add3A_56 = arith.addi %add3A_55, %iota3A : vector<16xi32>
        %shift_right_arithmetic3A_57 = arith.constant 7 : i32
        %shift_right_arithmetic3A_58 = vector.broadcast %shift_right_arithmetic3A_57 : i32 to vector<16xi32>
        %shift_right_arithmetic3A_59 = arith.shrsi %add3A_56, %shift_right_arithmetic3A_58 : vector<16xi32>
        %and3A_60 = arith.constant 127 : i32
        %and3A_61 = vector.broadcast %and3A_60 : i32 to vector<16xi32>
        %and3A_62 = arith.andi %add3A_56, %and3A_61 : vector<16xi32>
        %gather3A = tpu.vector_load_idx %arg6[%shift_right_arithmetic3A_59, %and3A_62] : memref<24x128xf32, #tpu.memory_space<vmem>>[vector<16xi32>, vector<16xi32>], vector<16xf32>,
        %mul3A_63 = arith.constant 16 : i32
        %mul3A_64 = arith.muli %scan3A_51, %mul3A_63 : i32
        %get3A = arith.index_cast %mul3A_64 : i32 to index
        %get3A_65 = tpu.vector_load %arg7[%get3A] {strides = array<i32>} : memref<1344xi32, #tpu.memory_space<vmem>>, vector<16xi32>,
        tpu.vector_store_idx %arg8[%get3A_65], %gather3A {add = true} : memref<1024xf32, #tpu.memory_space<vmem>>[vector<16xi32>], vector<16xf32>,
        %sub3A_66 = arith.constant 1 : i32
        %sub3A_67 = vector.broadcast %sub3A_66 : i32 to vector<16xi32>
        %sub3A_68 = arith.subi %iota3A, %sub3A_67 : vector<16xi32>
        %max3A = arith.constant 0 : i32
        %max3A_69 = vector.broadcast %max3A : i32 to vector<16xi32>
        %max3A_70 = arith.maxsi %sub3A_68, %max3A_69 : vector<16xi32>
        %broadcast_in_dim3A_71 = vector.shape_cast %max3A_70 : vector<16xi32> to vector<16x1xi32>
        %gather3A_72 = vector.shape_cast %broadcast_in_dim3A_71 : vector<16x1xi32> to vector<16xi32>
        %gather3A_73 = tpu.dynamic_gather %get3A_65[%gather3A_72] in [0] : vector<16xi32>, vector<16xi32> -> vector<16xi32>
        %eq3A_74 = arith.cmpi eq, %gather3A_73, %get3A_65 : vector<16xi32>
        %ge3A = arith.constant 1 : i32
        %ge3A_75 = vector.broadcast %ge3A : i32 to vector<16xi32>
        %ge3A_76 = arith.cmpi sge, %iota3A, %ge3A_75 : vector<16xi32>
        %and3A_77 = arith.andi %eq3A_74, %ge3A_76 : vector<16xi1>
        %broadcast_in_dim3A_78 = vector.shape_cast %max3A_70 : vector<16xi32> to vector<16x1xi32>
        %gather3A_79 = vector.shape_cast %broadcast_in_dim3A_78 : vector<16x1xi32> to vector<16xi32>
        %gather3A_80 = tpu.dynamic_gather %gather3A[%gather3A_79] in [0] : vector<16xf32>, vector<16xi32> -> vector<16xf32>
        %jit3A_81 = arith.constant -3.000000e+38 : f32
        %broadcast_in_dim3A_82 = vector.broadcast %jit3A_81 : f32 to vector<16xf32>
        %select_n3A_83 = arith.select %and3A_77, %gather3A_80, %broadcast_in_dim3A_82 : vector<16xi1>, vector<16xf32>
        %max3A_84 = arith.maximumf %gather3A, %select_n3A_83 : vector<16xf32>
        %sub3A_85 = arith.constant 2 : i32
        %sub3A_86 = vector.broadcast %sub3A_85 : i32 to vector<16xi32>
        %sub3A_87 = arith.subi %iota3A, %sub3A_86 : vector<16xi32>
        %max3A_88 = arith.constant 0 : i32
        %max3A_89 = vector.broadcast %max3A_88 : i32 to vector<16xi32>
        %max3A_90 = arith.maxsi %sub3A_87, %max3A_89 : vector<16xi32>
        %broadcast_in_dim3A_91 = vector.shape_cast %max3A_90 : vector<16xi32> to vector<16x1xi32>
        %gather3A_92 = vector.shape_cast %broadcast_in_dim3A_91 : vector<16x1xi32> to vector<16xi32>
        %gather3A_93 = tpu.dynamic_gather %get3A_65[%gather3A_92] in [0] : vector<16xi32>, vector<16xi32> -> vector<16xi32>
        %eq3A_94 = arith.cmpi eq, %gather3A_93, %get3A_65 : vector<16xi32>
        %ge3A_95 = arith.constant 2 : i32
        %ge3A_96 = vector.broadcast %ge3A_95 : i32 to vector<16xi32>
        %ge3A_97 = arith.cmpi sge, %iota3A, %ge3A_96 : vector<16xi32>
        %and3A_98 = arith.andi %eq3A_94, %ge3A_97 : vector<16xi1>
        %broadcast_in_dim3A_99 = vector.shape_cast %max3A_90 : vector<16xi32> to vector<16x1xi32>
        %gather3A_100 = vector.shape_cast %broadcast_in_dim3A_99 : vector<16x1xi32> to vector<16xi32>
        %gather3A_101 = tpu.dynamic_gather %max3A_84[%gather3A_100] in [0] : vector<16xf32>, vector<16xi32> -> vector<16xf32>
        %jit3A_102 = arith.constant -3.000000e+38 : f32
        %broadcast_in_dim3A_103 = vector.broadcast %jit3A_102 : f32 to vector<16xf32>
        %select_n3A_104 = arith.select %and3A_98, %gather3A_101, %broadcast_in_dim3A_103 : vector<16xi1>, vector<16xf32>
        %max3A_105 = arith.maximumf %max3A_84, %select_n3A_104 : vector<16xf32>
        %sub3A_106 = arith.constant 4 : i32
        %sub3A_107 = vector.broadcast %sub3A_106 : i32 to vector<16xi32>
        %sub3A_108 = arith.subi %iota3A, %sub3A_107 : vector<16xi32>
        %max3A_109 = arith.constant 0 : i32
        %max3A_110 = vector.broadcast %max3A_109 : i32 to vector<16xi32>
        %max3A_111 = arith.maxsi %sub3A_108, %max3A_110 : vector<16xi32>
        %broadcast_in_dim3A_112 = vector.shape_cast %max3A_111 : vector<16xi32> to vector<16x1xi32>
        %gather3A_113 = vector.shape_cast %broadcast_in_dim3A_112 : vector<16x1xi32> to vector<16xi32>
        %gather3A_114 = tpu.dynamic_gather %get3A_65[%gather3A_113] in [0] : vector<16xi32>, vector<16xi32> -> vector<16xi32>
        %eq3A_115 = arith.cmpi eq, %gather3A_114, %get3A_65 : vector<16xi32>
        %ge3A_116 = arith.constant 4 : i32
        %ge3A_117 = vector.broadcast %ge3A_116 : i32 to vector<16xi32>
        %ge3A_118 = arith.cmpi sge, %iota3A, %ge3A_117 : vector<16xi32>
        %and3A_119 = arith.andi %eq3A_115, %ge3A_118 : vector<16xi1>
        %broadcast_in_dim3A_120 = vector.shape_cast %max3A_111 : vector<16xi32> to vector<16x1xi32>
        %gather3A_121 = vector.shape_cast %broadcast_in_dim3A_120 : vector<16x1xi32> to vector<16xi32>
        %gather3A_122 = tpu.dynamic_gather %max3A_105[%gather3A_121] in [0] : vector<16xf32>, vector<16xi32> -> vector<16xf32>
        %jit3A_123 = arith.constant -3.000000e+38 : f32
        %broadcast_in_dim3A_124 = vector.broadcast %jit3A_123 : f32 to vector<16xf32>
        %select_n3A_125 = arith.select %and3A_119, %gather3A_122, %broadcast_in_dim3A_124 : vector<16xi1>, vector<16xf32>
        %max3A_126 = arith.maximumf %max3A_105, %select_n3A_125 : vector<16xf32>
        %sub3A_127 = arith.constant 8 : i32
        %sub3A_128 = vector.broadcast %sub3A_127 : i32 to vector<16xi32>
        %sub3A_129 = arith.subi %iota3A, %sub3A_128 : vector<16xi32>
        %max3A_130 = arith.constant 0 : i32
        %max3A_131 = vector.broadcast %max3A_130 : i32 to vector<16xi32>
        %max3A_132 = arith.maxsi %sub3A_129, %max3A_131 : vector<16xi32>
        %broadcast_in_dim3A_133 = vector.shape_cast %max3A_132 : vector<16xi32> to vector<16x1xi32>
        %gather3A_134 = vector.shape_cast %broadcast_in_dim3A_133 : vector<16x1xi32> to vector<16xi32>
        %gather3A_135 = tpu.dynamic_gather %get3A_65[%gather3A_134] in [0] : vector<16xi32>, vector<16xi32> -> vector<16xi32>
        %eq3A_136 = arith.cmpi eq, %gather3A_135, %get3A_65 : vector<16xi32>
        %ge3A_137 = arith.constant 8 : i32
        %ge3A_138 = vector.broadcast %ge3A_137 : i32 to vector<16xi32>
        %ge3A_139 = arith.cmpi sge, %iota3A, %ge3A_138 : vector<16xi32>
        %and3A_140 = arith.andi %eq3A_136, %ge3A_139 : vector<16xi1>
        %broadcast_in_dim3A_141 = vector.shape_cast %max3A_132 : vector<16xi32> to vector<16x1xi32>
        %gather3A_142 = vector.shape_cast %broadcast_in_dim3A_141 : vector<16x1xi32> to vector<16xi32>
        %gather3A_143 = tpu.dynamic_gather %max3A_126[%gather3A_142] in [0] : vector<16xf32>, vector<16xi32> -> vector<16xf32>
        %jit3A_144 = arith.constant -3.000000e+38 : f32
        %broadcast_in_dim3A_145 = vector.broadcast %jit3A_144 : f32 to vector<16xf32>
        %select_n3A_146 = arith.select %and3A_140, %gather3A_143, %broadcast_in_dim3A_145 : vector<16xi1>, vector<16xf32>
        %max3A_147 = arith.maximumf %max3A_126, %select_n3A_146 : vector<16xf32>
        %add3A_148 = arith.constant 1 : i32
        %add3A_149 = vector.broadcast %add3A_148 : i32 to vector<16xi32>
        %add3A_150 = arith.addi %iota3A, %add3A_149 : vector<16xi32>
        %min3A = arith.constant 15 : i32
        %min3A_151 = vector.broadcast %min3A : i32 to vector<16xi32>
        %min3A_152 = arith.minsi %add3A_150, %min3A_151 : vector<16xi32>
        %broadcast_in_dim3A_153 = vector.shape_cast %min3A_152 : vector<16xi32> to vector<16x1xi32>
        %gather3A_154 = vector.shape_cast %broadcast_in_dim3A_153 : vector<16x1xi32> to vector<16xi32>
        %gather3A_155 = tpu.dynamic_gather %get3A_65[%gather3A_154] in [0] : vector<16xi32>, vector<16xi32> -> vector<16xi32>
        %ne3A_156 = arith.cmpi ne, %gather3A_155, %get3A_65 : vector<16xi32>
        %eq3A_157 = arith.constant 15 : i32
        %eq3A_158 = vector.broadcast %eq3A_157 : i32 to vector<16xi32>
        %eq3A_159 = arith.cmpi eq, %iota3A, %eq3A_158 : vector<16xi32>
        %or3A = arith.ori %ne3A_156, %eq3A_159 : vector<16xi1>
        %gather3A_160 = tpu.vector_load_idx %arg9[%get3A_65] : memref<1024xf32, #tpu.memory_space<vmem>>[vector<16xi32>], vector<16xf32>,
        %max3A_161 = arith.maximumf %gather3A_160, %max3A_147 : vector<16xf32>
        tpu.vector_store_idx %arg9[%get3A_65], %max3A_161 masked %or3A : memref<1024xf32, #tpu.memory_space<vmem>>[vector<16xi32>], vector<16xf32>, vector<16xi1>
      }
      %scan3A_50 = arith.constant 62 : i32
    } else {
    }
    "tpu.region"() ({
      %run_scoped3A = tpu.sem_alloc : memref<!tpu.dma_semaphore, #tpu.memory_space<semaphore_mem>>
      %dma_start3A = arith.constant 0 : i32
      %dma_start3A_45 = tpu.memref_slice %arg4[%add3A, %dma_start3A] : memref<32x1024xf32, #tpu.memory_space<hbm>> -> memref<1x1024xf32, #tpu.memory_space<hbm>>
      %dma_start3A_46 = tpu.memref_squeeze %dma_start3A_45 : memref<1x1024xf32, #tpu.memory_space<hbm>> -> memref<1024xf32, #tpu.memory_space<hbm>>
      %dma_start3A_47 = arith.constant 0 : i32
      %dma_start3A_48 = tpu.memref_slice %arg4[%add3A, %dma_start3A_47] : memref<32x1024xf32, #tpu.memory_space<hbm>> -> memref<1x1024xf32, #tpu.memory_space<hbm>>
      %dma_start3A_49 = tpu.memref_squeeze %dma_start3A_48 : memref<1x1024xf32, #tpu.memory_space<hbm>> -> memref<1024xf32, #tpu.memory_space<hbm>>
      tpu.enqueue_dma source(%arg8 : memref<1024xf32, #tpu.memory_space<vmem>>) target(%dma_start3A_49 : memref<1024xf32, #tpu.memory_space<hbm>>) target_semaphore(%run_scoped3A : memref<!tpu.dma_semaphore, #tpu.memory_space<semaphore_mem>>)
      %dma_wait3A = arith.constant 0 : i32
      %dma_wait3A_50 = tpu.memref_slice %arg4[%add3A, %dma_wait3A] : memref<32x1024xf32, #tpu.memory_space<hbm>> -> memref<1x1024xf32, #tpu.memory_space<hbm>>
      %dma_wait3A_51 = tpu.memref_squeeze %dma_wait3A_50 : memref<1x1024xf32, #tpu.memory_space<hbm>> -> memref<1024xf32, #tpu.memory_space<hbm>>
      %dma_wait3A_52 = arith.constant 0 : i32
      %dma_wait3A_53 = tpu.memref_slice %arg4[%add3A, %dma_wait3A_52] : memref<32x1024xf32, #tpu.memory_space<hbm>> -> memref<1x1024xf32, #tpu.memory_space<hbm>>
      %dma_wait3A_54 = tpu.memref_squeeze %dma_wait3A_53 : memref<1x1024xf32, #tpu.memory_space<hbm>> -> memref<1024xf32, #tpu.memory_space<hbm>>
      tpu.wait_dma2 semaphore(%run_scoped3A : memref<!tpu.dma_semaphore, #tpu.memory_space<semaphore_mem>>) src(%arg8 : memref<1024xf32, #tpu.memory_space<vmem>>) dst(%dma_wait3A_54 : memref<1024xf32, #tpu.memory_space<hbm>>)
      tpu.yield
    }) : () -> ()
    "tpu.region"() ({
      %run_scoped3A = tpu.sem_alloc : memref<!tpu.dma_semaphore, #tpu.memory_space<semaphore_mem>>
      %dma_start3A = arith.constant 0 : i32
      %dma_start3A_45 = tpu.memref_slice %arg5[%add3A, %dma_start3A] : memref<32x1024xf32, #tpu.memory_space<hbm>> -> memref<1x1024xf32, #tpu.memory_space<hbm>>
      %dma_start3A_46 = tpu.memref_squeeze %dma_start3A_45 : memref<1x1024xf32, #tpu.memory_space<hbm>> -> memref<1024xf32, #tpu.memory_space<hbm>>
      %dma_start3A_47 = arith.constant 0 : i32
      %dma_start3A_48 = tpu.memref_slice %arg5[%add3A, %dma_start3A_47] : memref<32x1024xf32, #tpu.memory_space<hbm>> -> memref<1x1024xf32, #tpu.memory_space<hbm>>
      %dma_start3A_49 = tpu.memref_squeeze %dma_start3A_48 : memref<1x1024xf32, #tpu.memory_space<hbm>> -> memref<1024xf32, #tpu.memory_space<hbm>>
      tpu.enqueue_dma source(%arg9 : memref<1024xf32, #tpu.memory_space<vmem>>) target(%dma_start3A_49 : memref<1024xf32, #tpu.memory_space<hbm>>) target_semaphore(%run_scoped3A : memref<!tpu.dma_semaphore, #tpu.memory_space<semaphore_mem>>)
      %dma_wait3A = arith.constant 0 : i32
      %dma_wait3A_50 = tpu.memref_slice %arg5[%add3A, %dma_wait3A] : memref<32x1024xf32, #tpu.memory_space<hbm>> -> memref<1x1024xf32, #tpu.memory_space<hbm>>
      %dma_wait3A_51 = tpu.memref_squeeze %dma_wait3A_50 : memref<1x1024xf32, #tpu.memory_space<hbm>> -> memref<1024xf32, #tpu.memory_space<hbm>>
      %dma_wait3A_52 = arith.constant 0 : i32
      %dma_wait3A_53 = tpu.memref_slice %arg5[%add3A, %dma_wait3A_52] : memref<32x1024xf32, #tpu.memory_space<hbm>> -> memref<1x1024xf32, #tpu.memory_space<hbm>>
      %dma_wait3A_54 = tpu.memref_squeeze %dma_wait3A_53 : memref<1x1024xf32, #tpu.memory_space<hbm>> -> memref<1024xf32, #tpu.memory_space<hbm>>
      tpu.wait_dma2 semaphore(%run_scoped3A : memref<!tpu.dma_semaphore, #tpu.memory_space<semaphore_mem>>) src(%arg9 : memref<1024xf32, #tpu.memory_space<vmem>>) dst(%dma_wait3A_54 : memref<1024xf32, #tpu.memory_space<hbm>>)
      tpu.yield
    }) : () -> ()
    return
  }
}

#map = affine_map<(d0, d1) -> (0, 0)>
#map1 = affine_map<(d0, d1) -> (0)>
module attributes {stable_mosaic.version = 14 : i64} {
  func.func @body(%arg0: i32, %arg1: i32, %arg2: memref<456x128xf32, #tpu.memory_space<hbm>>, %arg3: memref<100000xi32, #tpu.memory_space<hbm>>, %arg4: memref<32x1024xf32, #tpu.memory_space<hbm>>, %arg5: memref<32x1024xf32, #tpu.memory_space<hbm>>, %arg6: memref<24x128xf32, #tpu.memory_space<vmem>>, %arg7: memref<1792xi32, #tpu.memory_space<vmem>>, %arg8: memref<1024xf32, #tpu.memory_space<vmem>>, %arg9: memref<1024xf32, #tpu.memory_space<vmem>>) attributes {dimension_semantics = [#tpu.dimension_semantics<core_parallel>, #tpu.dimension_semantics<subcore_parallel>], iteration_bounds = array<i64: 2, 16>, scalar_prefetch = 0 : i64, scratch_operands = 4 : i64, tpu.core_type = #tpu.core_type<sc_vector_subcore>, window_params = [{transform_indices = #map}, {transform_indices = #map1}, {transform_indices = #map}, {transform_indices = #map}]} {
    %mul3A = arith.constant 2 : i32
    %mul3A_0 = arith.muli %arg1, %mul3A : i32
    %add3A = arith.addi %mul3A_0, %arg0 : i32
    %eq3A = arith.constant 31 : i32
    %eq3A_1 = arith.cmpi eq, %add3A, %eq3A : i32
    %not3A = arith.constant true
    %not3A_2 = arith.xori %eq3A_1, %not3A : i1
    %mul3A_3 = arith.constant 1792 : i32
    %mul3A_4 = arith.muli %add3A, %mul3A_3 : i32
    %iota3A = tpu.iota {dimensions = array<i32: 0>} : vector<16xi32>
    %broadcast_in_dim3A = arith.constant 0.000000e+00 : f32
    %broadcast_in_dim3A_5 = vector.broadcast %broadcast_in_dim3A : f32 to vector<16xf32>
    %broadcast_in_dim3A_6 = arith.constant -3.000000e+38 : f32
    %broadcast_in_dim3A_7 = vector.broadcast %broadcast_in_dim3A_6 : f32 to vector<16xf32>
    %scan3A = arith.constant 0 : i32
    %scan3A_8 = arith.constant 0 : i32
    %scan3A_9 = arith.constant 64 : i32
    %scan3A_10 = arith.addi %scan3A_8, %scan3A_9 : i32
    %scan3A_11 = arith.constant 1 : i32
    scf.for %scan3A_43 = %scan3A_8 to %scan3A_10 step %scan3A_11  : i32 {
      %mul3A_44 = arith.constant 16 : i32
      %mul3A_45 = arith.muli %scan3A_43, %mul3A_44 : i32
      %swap3A = arith.index_cast %mul3A_45 : i32 to index
      %swap3A_46 = tpu.vector_load %arg8[%swap3A] {strides = array<i32>} : memref<1024xf32, #tpu.memory_space<vmem>>, vector<16xf32>,
      tpu.vector_store %arg8[%swap3A], %broadcast_in_dim3A_5 {strides = array<i32>} : memref<1024xf32, #tpu.memory_space<vmem>>, vector<16xf32>,
      %mul3A_47 = arith.constant 16 : i32
      %mul3A_48 = arith.muli %scan3A_43, %mul3A_47 : i32
      %swap3A_49 = arith.index_cast %mul3A_48 : i32 to index
      %swap3A_50 = tpu.vector_load %arg9[%swap3A_49] {strides = array<i32>} : memref<1024xf32, #tpu.memory_space<vmem>>, vector<16xf32>,
      tpu.vector_store %arg9[%swap3A_49], %broadcast_in_dim3A_7 {strides = array<i32>} : memref<1024xf32, #tpu.memory_space<vmem>>, vector<16xf32>,
    }
    %scan3A_12 = arith.constant 64 : i32
    %shift_right_arithmetic3A = arith.constant 7 : i32
    %shift_right_arithmetic3A_13 = arith.shrsi %mul3A_4, %shift_right_arithmetic3A : i32
    %jit3A = arith.constant 8 : i32
    %div3A = arith.divsi %shift_right_arithmetic3A_13, %jit3A : i32
    %sign3A = arith.constant 0 : i32
    %sign3A_14 = arith.cmpi sgt, %shift_right_arithmetic3A_13, %sign3A : i32
    %sign3A_15 = arith.extui %sign3A_14 : i1 to i32
    %sign3A_16 = arith.constant 0 : i32
    %sign3A_17 = arith.cmpi slt, %shift_right_arithmetic3A_13, %sign3A_16 : i32
    %sign3A_18 = arith.extui %sign3A_17 : i1 to i32
    %sign3A_19 = arith.subi %sign3A_15, %sign3A_18 : i32
    %sign3A_20 = arith.constant 0 : i32
    %sign3A_21 = arith.cmpi sgt, %jit3A, %sign3A_20 : i32
    %sign3A_22 = arith.extui %sign3A_21 : i1 to i32
    %sign3A_23 = arith.constant 0 : i32
    %sign3A_24 = arith.cmpi slt, %jit3A, %sign3A_23 : i32
    %sign3A_25 = arith.extui %sign3A_24 : i1 to i32
    %sign3A_26 = arith.subi %sign3A_22, %sign3A_25 : i32
    %ne3A = arith.cmpi ne, %sign3A_19, %sign3A_26 : i32
    %rem3A = arith.remsi %shift_right_arithmetic3A_13, %jit3A : i32
    %ne3A_27 = arith.constant 0 : i32
    %ne3A_28 = arith.cmpi ne, %rem3A, %ne3A_27 : i32
    %and3A = arith.andi %ne3A, %ne3A_28 : i1
    %sub3A = arith.constant 1 : i32
    %sub3A_29 = arith.subi %div3A, %sub3A : i32
    %select_n3A = arith.select %and3A, %sub3A_29, %div3A : i32
    %mul3A_30 = arith.constant 8 : i32
    %mul3A_31 = arith.muli %select_n3A, %mul3A_30 : i32
    %mul3A_32 = arith.constant 128 : i32
    %mul3A_33 = arith.muli %mul3A_31, %mul3A_32 : i32
    %sub3A_34 = arith.subi %mul3A_4, %mul3A_33 : i32
    "tpu.region"() ({
      %run_scoped3A = tpu.sem_alloc : memref<!tpu.dma_semaphore, #tpu.memory_space<semaphore_mem>>
      %dma_start3A = arith.constant 0 : i32
      %dma_start3A_43 = tpu.memref_slice %arg2[%mul3A_31, %dma_start3A] : memref<456x128xf32, #tpu.memory_space<hbm>> -> memref<24x128xf32, #tpu.memory_space<hbm>>
      %dma_start3A_44 = arith.constant 0 : i32
      %dma_start3A_45 = tpu.memref_slice %arg2[%mul3A_31, %dma_start3A_44] : memref<456x128xf32, #tpu.memory_space<hbm>> -> memref<24x128xf32, #tpu.memory_space<hbm>>
      tpu.enqueue_dma source(%dma_start3A_45 : memref<24x128xf32, #tpu.memory_space<hbm>>) target(%arg6 : memref<24x128xf32, #tpu.memory_space<vmem>>) target_semaphore(%run_scoped3A : memref<!tpu.dma_semaphore, #tpu.memory_space<semaphore_mem>>)
      %dma_wait3A = arith.constant 0 : i32
      %dma_wait3A_46 = tpu.memref_slice %arg2[%mul3A_31, %dma_wait3A] : memref<456x128xf32, #tpu.memory_space<hbm>> -> memref<24x128xf32, #tpu.memory_space<hbm>>
      %dma_wait3A_47 = arith.constant 0 : i32
      %dma_wait3A_48 = tpu.memref_slice %arg2[%mul3A_31, %dma_wait3A_47] : memref<456x128xf32, #tpu.memory_space<hbm>> -> memref<24x128xf32, #tpu.memory_space<hbm>>
      tpu.wait_dma2 semaphore(%run_scoped3A : memref<!tpu.dma_semaphore, #tpu.memory_space<semaphore_mem>>) src(%dma_wait3A_48 : memref<24x128xf32, #tpu.memory_space<hbm>>) dst(%arg6 : memref<24x128xf32, #tpu.memory_space<vmem>>)
      tpu.yield
    }) : () -> ()
    %add3A_35 = arith.constant 0 : i32
    %add3A_36 = arith.addi %add3A_35, %mul3A_4 : i32
    "tpu.region"() ({
      %run_scoped3A = tpu.sem_alloc : memref<!tpu.dma_semaphore, #tpu.memory_space<semaphore_mem>>
      %dma_start3A = tpu.memref_slice %arg3[%add3A_36] : memref<100000xi32, #tpu.memory_space<hbm>> -> memref<1792xi32, #tpu.memory_space<hbm>>
      %dma_start3A_43 = tpu.memref_slice %arg3[%add3A_36] : memref<100000xi32, #tpu.memory_space<hbm>> -> memref<1792xi32, #tpu.memory_space<hbm>>
      tpu.enqueue_dma source(%dma_start3A_43 : memref<1792xi32, #tpu.memory_space<hbm>>) target(%arg7 : memref<1792xi32, #tpu.memory_space<vmem>>) target_semaphore(%run_scoped3A : memref<!tpu.dma_semaphore, #tpu.memory_space<semaphore_mem>>)
      %dma_wait3A = tpu.memref_slice %arg3[%add3A_36] : memref<100000xi32, #tpu.memory_space<hbm>> -> memref<1792xi32, #tpu.memory_space<hbm>>
      %dma_wait3A_44 = tpu.memref_slice %arg3[%add3A_36] : memref<100000xi32, #tpu.memory_space<hbm>> -> memref<1792xi32, #tpu.memory_space<hbm>>
      tpu.wait_dma2 semaphore(%run_scoped3A : memref<!tpu.dma_semaphore, #tpu.memory_space<semaphore_mem>>) src(%dma_wait3A_44 : memref<1792xi32, #tpu.memory_space<hbm>>) dst(%arg7 : memref<1792xi32, #tpu.memory_space<vmem>>)
      tpu.yield
    }) : () -> ()
    %scan3A_37 = arith.constant 0 : i32
    %scan3A_38 = arith.constant 0 : i32
    %scan3A_39 = arith.constant 112 : i32
    %scan3A_40 = arith.addi %scan3A_38, %scan3A_39 : i32
    %scan3A_41 = arith.constant 1 : i32
    scf.for %scan3A_43 = %scan3A_38 to %scan3A_40 step %scan3A_41  : i32 {
      %mul3A_44 = arith.constant 16 : i32
      %mul3A_45 = arith.muli %scan3A_43, %mul3A_44 : i32
      %add3A_46 = arith.addi %sub3A_34, %mul3A_45 : i32
      %add3A_47 = vector.broadcast %add3A_46 : i32 to vector<16xi32>
      %add3A_48 = arith.addi %add3A_47, %iota3A : vector<16xi32>
      %shift_right_arithmetic3A_49 = arith.constant 7 : i32
      %shift_right_arithmetic3A_50 = vector.broadcast %shift_right_arithmetic3A_49 : i32 to vector<16xi32>
      %shift_right_arithmetic3A_51 = arith.shrsi %add3A_48, %shift_right_arithmetic3A_50 : vector<16xi32>
      %and3A_52 = arith.constant 127 : i32
      %and3A_53 = vector.broadcast %and3A_52 : i32 to vector<16xi32>
      %and3A_54 = arith.andi %add3A_48, %and3A_53 : vector<16xi32>
      %gather3A = tpu.vector_load_idx %arg6[%shift_right_arithmetic3A_51, %and3A_54] : memref<24x128xf32, #tpu.memory_space<vmem>>[vector<16xi32>, vector<16xi32>], vector<16xf32>,
      %mul3A_55 = arith.constant 16 : i32
      %mul3A_56 = arith.muli %scan3A_43, %mul3A_55 : i32
      %get3A = arith.index_cast %mul3A_56 : i32 to index
      %get3A_57 = tpu.vector_load %arg7[%get3A] {strides = array<i32>} : memref<1792xi32, #tpu.memory_space<vmem>>, vector<16xi32>,
      tpu.vector_store_idx %arg8[%get3A_57], %gather3A {add = true} : memref<1024xf32, #tpu.memory_space<vmem>>[vector<16xi32>], vector<16xf32>,
      %sub3A_58 = arith.constant 1 : i32
      %sub3A_59 = vector.broadcast %sub3A_58 : i32 to vector<16xi32>
      %sub3A_60 = arith.subi %iota3A, %sub3A_59 : vector<16xi32>
      %max3A = arith.constant 0 : i32
      %max3A_61 = vector.broadcast %max3A : i32 to vector<16xi32>
      %max3A_62 = arith.maxsi %sub3A_60, %max3A_61 : vector<16xi32>
      %broadcast_in_dim3A_63 = vector.shape_cast %max3A_62 : vector<16xi32> to vector<16x1xi32>
      %gather3A_64 = vector.shape_cast %broadcast_in_dim3A_63 : vector<16x1xi32> to vector<16xi32>
      %gather3A_65 = tpu.dynamic_gather %get3A_57[%gather3A_64] in [0] : vector<16xi32>, vector<16xi32> -> vector<16xi32>
      %eq3A_66 = arith.cmpi eq, %gather3A_65, %get3A_57 : vector<16xi32>
      %ge3A = arith.constant 1 : i32
      %ge3A_67 = vector.broadcast %ge3A : i32 to vector<16xi32>
      %ge3A_68 = arith.cmpi sge, %iota3A, %ge3A_67 : vector<16xi32>
      %and3A_69 = arith.andi %eq3A_66, %ge3A_68 : vector<16xi1>
      %broadcast_in_dim3A_70 = vector.shape_cast %max3A_62 : vector<16xi32> to vector<16x1xi32>
      %gather3A_71 = vector.shape_cast %broadcast_in_dim3A_70 : vector<16x1xi32> to vector<16xi32>
      %gather3A_72 = tpu.dynamic_gather %gather3A[%gather3A_71] in [0] : vector<16xf32>, vector<16xi32> -> vector<16xf32>
      %jit3A_73 = arith.constant -3.000000e+38 : f32
      %broadcast_in_dim3A_74 = vector.broadcast %jit3A_73 : f32 to vector<16xf32>
      %select_n3A_75 = arith.select %and3A_69, %gather3A_72, %broadcast_in_dim3A_74 : vector<16xi1>, vector<16xf32>
      %max3A_76 = arith.maximumf %gather3A, %select_n3A_75 : vector<16xf32>
      %sub3A_77 = arith.constant 2 : i32
      %sub3A_78 = vector.broadcast %sub3A_77 : i32 to vector<16xi32>
      %sub3A_79 = arith.subi %iota3A, %sub3A_78 : vector<16xi32>
      %max3A_80 = arith.constant 0 : i32
      %max3A_81 = vector.broadcast %max3A_80 : i32 to vector<16xi32>
      %max3A_82 = arith.maxsi %sub3A_79, %max3A_81 : vector<16xi32>
      %broadcast_in_dim3A_83 = vector.shape_cast %max3A_82 : vector<16xi32> to vector<16x1xi32>
      %gather3A_84 = vector.shape_cast %broadcast_in_dim3A_83 : vector<16x1xi32> to vector<16xi32>
      %gather3A_85 = tpu.dynamic_gather %get3A_57[%gather3A_84] in [0] : vector<16xi32>, vector<16xi32> -> vector<16xi32>
      %eq3A_86 = arith.cmpi eq, %gather3A_85, %get3A_57 : vector<16xi32>
      %ge3A_87 = arith.constant 2 : i32
      %ge3A_88 = vector.broadcast %ge3A_87 : i32 to vector<16xi32>
      %ge3A_89 = arith.cmpi sge, %iota3A, %ge3A_88 : vector<16xi32>
      %and3A_90 = arith.andi %eq3A_86, %ge3A_89 : vector<16xi1>
      %broadcast_in_dim3A_91 = vector.shape_cast %max3A_82 : vector<16xi32> to vector<16x1xi32>
      %gather3A_92 = vector.shape_cast %broadcast_in_dim3A_91 : vector<16x1xi32> to vector<16xi32>
      %gather3A_93 = tpu.dynamic_gather %max3A_76[%gather3A_92] in [0] : vector<16xf32>, vector<16xi32> -> vector<16xf32>
      %jit3A_94 = arith.constant -3.000000e+38 : f32
      %broadcast_in_dim3A_95 = vector.broadcast %jit3A_94 : f32 to vector<16xf32>
      %select_n3A_96 = arith.select %and3A_90, %gather3A_93, %broadcast_in_dim3A_95 : vector<16xi1>, vector<16xf32>
      %max3A_97 = arith.maximumf %max3A_76, %select_n3A_96 : vector<16xf32>
      %sub3A_98 = arith.constant 4 : i32
      %sub3A_99 = vector.broadcast %sub3A_98 : i32 to vector<16xi32>
      %sub3A_100 = arith.subi %iota3A, %sub3A_99 : vector<16xi32>
      %max3A_101 = arith.constant 0 : i32
      %max3A_102 = vector.broadcast %max3A_101 : i32 to vector<16xi32>
      %max3A_103 = arith.maxsi %sub3A_100, %max3A_102 : vector<16xi32>
      %broadcast_in_dim3A_104 = vector.shape_cast %max3A_103 : vector<16xi32> to vector<16x1xi32>
      %gather3A_105 = vector.shape_cast %broadcast_in_dim3A_104 : vector<16x1xi32> to vector<16xi32>
      %gather3A_106 = tpu.dynamic_gather %get3A_57[%gather3A_105] in [0] : vector<16xi32>, vector<16xi32> -> vector<16xi32>
      %eq3A_107 = arith.cmpi eq, %gather3A_106, %get3A_57 : vector<16xi32>
      %ge3A_108 = arith.constant 4 : i32
      %ge3A_109 = vector.broadcast %ge3A_108 : i32 to vector<16xi32>
      %ge3A_110 = arith.cmpi sge, %iota3A, %ge3A_109 : vector<16xi32>
      %and3A_111 = arith.andi %eq3A_107, %ge3A_110 : vector<16xi1>
      %broadcast_in_dim3A_112 = vector.shape_cast %max3A_103 : vector<16xi32> to vector<16x1xi32>
      %gather3A_113 = vector.shape_cast %broadcast_in_dim3A_112 : vector<16x1xi32> to vector<16xi32>
      %gather3A_114 = tpu.dynamic_gather %max3A_97[%gather3A_113] in [0] : vector<16xf32>, vector<16xi32> -> vector<16xf32>
      %jit3A_115 = arith.constant -3.000000e+38 : f32
      %broadcast_in_dim3A_116 = vector.broadcast %jit3A_115 : f32 to vector<16xf32>
      %select_n3A_117 = arith.select %and3A_111, %gather3A_114, %broadcast_in_dim3A_116 : vector<16xi1>, vector<16xf32>
      %max3A_118 = arith.maximumf %max3A_97, %select_n3A_117 : vector<16xf32>
      %sub3A_119 = arith.constant 8 : i32
      %sub3A_120 = vector.broadcast %sub3A_119 : i32 to vector<16xi32>
      %sub3A_121 = arith.subi %iota3A, %sub3A_120 : vector<16xi32>
      %max3A_122 = arith.constant 0 : i32
      %max3A_123 = vector.broadcast %max3A_122 : i32 to vector<16xi32>
      %max3A_124 = arith.maxsi %sub3A_121, %max3A_123 : vector<16xi32>
      %broadcast_in_dim3A_125 = vector.shape_cast %max3A_124 : vector<16xi32> to vector<16x1xi32>
      %gather3A_126 = vector.shape_cast %broadcast_in_dim3A_125 : vector<16x1xi32> to vector<16xi32>
      %gather3A_127 = tpu.dynamic_gather %get3A_57[%gather3A_126] in [0] : vector<16xi32>, vector<16xi32> -> vector<16xi32>
      %eq3A_128 = arith.cmpi eq, %gather3A_127, %get3A_57 : vector<16xi32>
      %ge3A_129 = arith.constant 8 : i32
      %ge3A_130 = vector.broadcast %ge3A_129 : i32 to vector<16xi32>
      %ge3A_131 = arith.cmpi sge, %iota3A, %ge3A_130 : vector<16xi32>
      %and3A_132 = arith.andi %eq3A_128, %ge3A_131 : vector<16xi1>
      %broadcast_in_dim3A_133 = vector.shape_cast %max3A_124 : vector<16xi32> to vector<16x1xi32>
      %gather3A_134 = vector.shape_cast %broadcast_in_dim3A_133 : vector<16x1xi32> to vector<16xi32>
      %gather3A_135 = tpu.dynamic_gather %max3A_118[%gather3A_134] in [0] : vector<16xf32>, vector<16xi32> -> vector<16xf32>
      %jit3A_136 = arith.constant -3.000000e+38 : f32
      %broadcast_in_dim3A_137 = vector.broadcast %jit3A_136 : f32 to vector<16xf32>
      %select_n3A_138 = arith.select %and3A_132, %gather3A_135, %broadcast_in_dim3A_137 : vector<16xi1>, vector<16xf32>
      %max3A_139 = arith.maximumf %max3A_118, %select_n3A_138 : vector<16xf32>
      %add3A_140 = arith.constant 1 : i32
      %add3A_141 = vector.broadcast %add3A_140 : i32 to vector<16xi32>
      %add3A_142 = arith.addi %iota3A, %add3A_141 : vector<16xi32>
      %min3A = arith.constant 15 : i32
      %min3A_143 = vector.broadcast %min3A : i32 to vector<16xi32>
      %min3A_144 = arith.minsi %add3A_142, %min3A_143 : vector<16xi32>
      %broadcast_in_dim3A_145 = vector.shape_cast %min3A_144 : vector<16xi32> to vector<16x1xi32>
      %gather3A_146 = vector.shape_cast %broadcast_in_dim3A_145 : vector<16x1xi32> to vector<16xi32>
      %gather3A_147 = tpu.dynamic_gather %get3A_57[%gather3A_146] in [0] : vector<16xi32>, vector<16xi32> -> vector<16xi32>
      %ne3A_148 = arith.cmpi ne, %gather3A_147, %get3A_57 : vector<16xi32>
      %eq3A_149 = arith.constant 15 : i32
      %eq3A_150 = vector.broadcast %eq3A_149 : i32 to vector<16xi32>
      %eq3A_151 = arith.cmpi eq, %iota3A, %eq3A_150 : vector<16xi32>
      %or3A = arith.ori %ne3A_148, %eq3A_151 : vector<16xi1>
      %gather3A_152 = tpu.vector_load_idx %arg9[%get3A_57] : memref<1024xf32, #tpu.memory_space<vmem>>[vector<16xi32>], vector<16xf32>,
      %max3A_153 = arith.maximumf %gather3A_152, %max3A_139 : vector<16xf32>
      tpu.vector_store_idx %arg9[%get3A_57], %max3A_153 masked %or3A : memref<1024xf32, #tpu.memory_space<vmem>>[vector<16xi32>], vector<16xf32>, vector<16xi1>
    }
    %scan3A_42 = arith.constant 112 : i32
    "tpu.region"() ({
      %run_scoped3A = tpu.sem_alloc : memref<!tpu.dma_semaphore, #tpu.memory_space<semaphore_mem>>
      %dma_start3A = arith.constant 0 : i32
      %dma_start3A_43 = tpu.memref_slice %arg4[%add3A, %dma_start3A] : memref<32x1024xf32, #tpu.memory_space<hbm>> -> memref<1x1024xf32, #tpu.memory_space<hbm>>
      %dma_start3A_44 = tpu.memref_squeeze %dma_start3A_43 : memref<1x1024xf32, #tpu.memory_space<hbm>> -> memref<1024xf32, #tpu.memory_space<hbm>>
      %dma_start3A_45 = arith.constant 0 : i32
      %dma_start3A_46 = tpu.memref_slice %arg4[%add3A, %dma_start3A_45] : memref<32x1024xf32, #tpu.memory_space<hbm>> -> memref<1x1024xf32, #tpu.memory_space<hbm>>
      %dma_start3A_47 = tpu.memref_squeeze %dma_start3A_46 : memref<1x1024xf32, #tpu.memory_space<hbm>> -> memref<1024xf32, #tpu.memory_space<hbm>>
      tpu.enqueue_dma source(%arg8 : memref<1024xf32, #tpu.memory_space<vmem>>) target(%dma_start3A_47 : memref<1024xf32, #tpu.memory_space<hbm>>) target_semaphore(%run_scoped3A : memref<!tpu.dma_semaphore, #tpu.memory_space<semaphore_mem>>)
      %dma_wait3A = arith.constant 0 : i32
      %dma_wait3A_48 = tpu.memref_slice %arg4[%add3A, %dma_wait3A] : memref<32x1024xf32, #tpu.memory_space<hbm>> -> memref<1x1024xf32, #tpu.memory_space<hbm>>
      %dma_wait3A_49 = tpu.memref_squeeze %dma_wait3A_48 : memref<1x1024xf32, #tpu.memory_space<hbm>> -> memref<1024xf32, #tpu.memory_space<hbm>>
      %dma_wait3A_50 = arith.constant 0 : i32
      %dma_wait3A_51 = tpu.memref_slice %arg4[%add3A, %dma_wait3A_50] : memref<32x1024xf32, #tpu.memory_space<hbm>> -> memref<1x1024xf32, #tpu.memory_space<hbm>>
      %dma_wait3A_52 = tpu.memref_squeeze %dma_wait3A_51 : memref<1x1024xf32, #tpu.memory_space<hbm>> -> memref<1024xf32, #tpu.memory_space<hbm>>
      tpu.wait_dma2 semaphore(%run_scoped3A : memref<!tpu.dma_semaphore, #tpu.memory_space<semaphore_mem>>) src(%arg8 : memref<1024xf32, #tpu.memory_space<vmem>>) dst(%dma_wait3A_52 : memref<1024xf32, #tpu.memory_space<hbm>>)
      tpu.yield
    }) : () -> ()
    "tpu.region"() ({
      %run_scoped3A = tpu.sem_alloc : memref<!tpu.dma_semaphore, #tpu.memory_space<semaphore_mem>>
      %dma_start3A = arith.constant 0 : i32
      %dma_start3A_43 = tpu.memref_slice %arg5[%add3A, %dma_start3A] : memref<32x1024xf32, #tpu.memory_space<hbm>> -> memref<1x1024xf32, #tpu.memory_space<hbm>>
      %dma_start3A_44 = tpu.memref_squeeze %dma_start3A_43 : memref<1x1024xf32, #tpu.memory_space<hbm>> -> memref<1024xf32, #tpu.memory_space<hbm>>
      %dma_start3A_45 = arith.constant 0 : i32
      %dma_start3A_46 = tpu.memref_slice %arg5[%add3A, %dma_start3A_45] : memref<32x1024xf32, #tpu.memory_space<hbm>> -> memref<1x1024xf32, #tpu.memory_space<hbm>>
      %dma_start3A_47 = tpu.memref_squeeze %dma_start3A_46 : memref<1x1024xf32, #tpu.memory_space<hbm>> -> memref<1024xf32, #tpu.memory_space<hbm>>
      tpu.enqueue_dma source(%arg9 : memref<1024xf32, #tpu.memory_space<vmem>>) target(%dma_start3A_47 : memref<1024xf32, #tpu.memory_space<hbm>>) target_semaphore(%run_scoped3A : memref<!tpu.dma_semaphore, #tpu.memory_space<semaphore_mem>>)
      %dma_wait3A = arith.constant 0 : i32
      %dma_wait3A_48 = tpu.memref_slice %arg5[%add3A, %dma_wait3A] : memref<32x1024xf32, #tpu.memory_space<hbm>> -> memref<1x1024xf32, #tpu.memory_space<hbm>>
      %dma_wait3A_49 = tpu.memref_squeeze %dma_wait3A_48 : memref<1x1024xf32, #tpu.memory_space<hbm>> -> memref<1024xf32, #tpu.memory_space<hbm>>
      %dma_wait3A_50 = arith.constant 0 : i32
      %dma_wait3A_51 = tpu.memref_slice %arg5[%add3A, %dma_wait3A_50] : memref<32x1024xf32, #tpu.memory_space<hbm>> -> memref<1x1024xf32, #tpu.memory_space<hbm>>
      %dma_wait3A_52 = tpu.memref_squeeze %dma_wait3A_51 : memref<1x1024xf32, #tpu.memory_space<hbm>> -> memref<1024xf32, #tpu.memory_space<hbm>>
      tpu.wait_dma2 semaphore(%run_scoped3A : memref<!tpu.dma_semaphore, #tpu.memory_space<semaphore_mem>>) src(%arg9 : memref<1024xf32, #tpu.memory_space<vmem>>) dst(%dma_wait3A_52 : memref<1024xf32, #tpu.memory_space<hbm>>)
      tpu.yield
    }) : () -> ()
    return
  }
}

module attributes {stable_mosaic.version = 14 : i64} {
  func.func @_ce_body(%arg0: i32, %arg1: memref<20x2048xf32, #tpu.memory_space<vmem>>, %arg2: memref<2048xi32, #tpu.memory_space<vmem>>, %arg3: memref<16x128xf32, #tpu.memory_space<vmem>>) attributes {dimension_semantics = [#tpu.dimension_semantics<arbitrary>], iteration_bounds = array<i64: 28>, scalar_prefetch = 0 : i64, scratch_operands = 0 : i64, tpu.core_type = #tpu.core_type<tc>, window_params = [{transform_indices = @transform_0, window_bounds = array<i64: 20, 2048>}, {transform_indices = @transform_1, window_bounds = array<i64: 2048>}, {transform_indices = @transform_2, window_bounds = array<i64: 16, 128>}]} {
    %get3A = arith.constant 0 : index
    %get3A_0 = arith.constant 0 : index
    %get3A_1 = vector.load %arg1[%get3A, %get3A_0] : memref<20x2048xf32, #tpu.memory_space<vmem>>, vector<20x2048xf32>
    %exp3A = math.exp %get3A_1 : vector<20x2048xf32>
    %reduce_sum3A = arith.constant dense<0.000000e+00> : vector<2048xf32>
    %reduce_sum3A_2 = vector.multi_reduction <add>, %exp3A, %reduce_sum3A [0] : vector<20x2048xf32> to vector<2048xf32>
    %get3A_3 = arith.constant 0 : index
    %get3A_4 = vector.load %arg2[%get3A_3] : memref<2048xi32, #tpu.memory_space<vmem>>, vector<2048xi32>
    %reshape3A = vector.shape_cast %get3A_4 : vector<2048xi32> to vector<1x2048xi32>
    %iota3A = tpu.iota {dimensions = array<i32: 0>} : vector<20x2048xi32>
    %eq3A = vector.broadcast %reshape3A : vector<1x2048xi32> to vector<20x2048xi32>
    %eq3A_5 = arith.cmpi eq, %iota3A, %eq3A : vector<20x2048xi32>
    %jit3A = arith.constant 0.000000e+00 : f32
    %broadcast_in_dim3A = vector.broadcast %jit3A : f32 to vector<20x2048xf32>
    %select_n3A = arith.select %eq3A_5, %get3A_1, %broadcast_in_dim3A : vector<20x2048xi1>, vector<20x2048xf32>
    %reduce_sum3A_6 = arith.constant dense<0.000000e+00> : vector<2048xf32>
    %reduce_sum3A_7 = vector.multi_reduction <add>, %select_n3A, %reduce_sum3A_6 [0] : vector<20x2048xf32> to vector<2048xf32>
    %bitcast_convert_type3A = tpu.bitcast %reduce_sum3A_2 : vector<2048xf32> -> vector<2048xi32>
    %shift_right_arithmetic3A = arith.constant 23 : i32
    %shift_right_arithmetic3A_8 = vector.broadcast %shift_right_arithmetic3A : i32 to vector<2048xi32>
    %shift_right_arithmetic3A_9 = arith.shrsi %bitcast_convert_type3A, %shift_right_arithmetic3A_8 : vector<2048xi32>
    %sub3A = arith.constant 127 : i32
    %sub3A_10 = vector.broadcast %sub3A : i32 to vector<2048xi32>
    %sub3A_11 = arith.subi %shift_right_arithmetic3A_9, %sub3A_10 : vector<2048xi32>
    %convert_element_type3A = arith.sitofp %sub3A_11 : vector<2048xi32> to vector<2048xf32>
    %and3A = arith.constant 8388607 : i32
    %and3A_12 = vector.broadcast %and3A : i32 to vector<2048xi32>
    %and3A_13 = arith.andi %bitcast_convert_type3A, %and3A_12 : vector<2048xi32>
    %or3A = arith.constant 1065353216 : i32
    %or3A_14 = vector.broadcast %or3A : i32 to vector<2048xi32>
    %or3A_15 = arith.ori %and3A_13, %or3A_14 : vector<2048xi32>
    %bitcast_convert_type3A_16 = tpu.bitcast %or3A_15 : vector<2048xi32> -> vector<2048xf32>
    %mul3A = arith.constant -0.0548628531 : f32
    %mul3A_17 = vector.broadcast %mul3A : f32 to vector<2048xf32>
    %mul3A_18 = arith.mulf %mul3A_17, %bitcast_convert_type3A_16 : vector<2048xf32>
    %add3A = arith.constant 0.435861856 : f32
    %add3A_19 = vector.broadcast %add3A : f32 to vector<2048xf32>
    %add3A_20 = arith.addf %mul3A_18, %add3A_19 : vector<2048xf32>
    %mul3A_21 = arith.mulf %add3A_20, %bitcast_convert_type3A_16 : vector<2048xf32>
    %sub3A_22 = arith.constant 1.44248104 : f32
    %sub3A_23 = vector.broadcast %sub3A_22 : f32 to vector<2048xf32>
    %sub3A_24 = arith.subf %mul3A_21, %sub3A_23 : vector<2048xf32>
    %mul3A_25 = arith.mulf %sub3A_24, %bitcast_convert_type3A_16 : vector<2048xf32>
    %add3A_26 = arith.constant 2.79225516 : f32
    %add3A_27 = vector.broadcast %add3A_26 : f32 to vector<2048xf32>
    %add3A_28 = arith.addf %mul3A_25, %add3A_27 : vector<2048xf32>
    %mul3A_29 = arith.mulf %add3A_28, %bitcast_convert_type3A_16 : vector<2048xf32>
    %sub3A_30 = arith.constant 1.73063171 : f32
    %sub3A_31 = vector.broadcast %sub3A_30 : f32 to vector<2048xf32>
    %sub3A_32 = arith.subf %mul3A_29, %sub3A_31 : vector<2048xf32>
    %mul3A_33 = arith.constant 0.693147182 : f32
    %mul3A_34 = vector.broadcast %mul3A_33 : f32 to vector<2048xf32>
    %mul3A_35 = arith.mulf %mul3A_34, %convert_element_type3A : vector<2048xf32>
    %add3A_36 = arith.addf %mul3A_35, %sub3A_32 : vector<2048xf32>
    %sub3A_37 = arith.subf %add3A_36, %reduce_sum3A_7 : vector<2048xf32>
    %reshape3A_38 = vector.shape_cast %sub3A_37 : vector<2048xf32> to vector<16x128xf32>
    %swap3A = arith.constant 0 : index
    %swap3A_39 = arith.constant 0 : index
    %swap3A_40 = vector.load %arg3[%swap3A, %swap3A_39] : memref<16x128xf32, #tpu.memory_space<vmem>>, vector<16x128xf32>
    tpu.vector_store %arg3[%swap3A, %swap3A_39], %reshape3A_38 {strides = array<i32>} : memref<16x128xf32, #tpu.memory_space<vmem>>, vector<16x128xf32>,
    return
  }
  func.func @transform_0(%arg0: i32) -> (i32, i32) {
    %add3A = arith.constant 0 : i32
    %add3A_0 = arith.addi %arg0, %add3A : i32
    %c0_i32 = arith.constant 0 : i32
    %c0_i32_1 = arith.constant 0 : i32
    return %c0_i32, %add3A_0 : i32, i32
  }
  func.func @transform_1(%arg0: i32) -> i32 {
    %add3A = arith.constant 0 : i32
    %add3A_0 = arith.addi %arg0, %add3A : i32
    %c0_i32 = arith.constant 0 : i32
    return %add3A_0 : i32
  }
  func.func @transform_2(%arg0: i32) -> (i32, i32) {
    %c0_i32 = arith.constant 0 : i32
    %c0_i32_0 = arith.constant 0 : i32
    return %arg0, %c0_i32 : i32, i32
  }
}

module attributes {stable_mosaic.version = 14 : i64} {
  func.func @_ce_body(%arg0: i32, %arg1: memref<20x2048xf32, #tpu.memory_space<vmem>>, %arg2: memref<2048xi32, #tpu.memory_space<vmem>>, %arg3: memref<16x128xf32, #tpu.memory_space<vmem>>) attributes {dimension_semantics = [#tpu.dimension_semantics<arbitrary>], iteration_bounds = array<i64: 21>, scalar_prefetch = 0 : i64, scratch_operands = 0 : i64, tpu.core_type = #tpu.core_type<tc>, window_params = [{transform_indices = @transform_0, window_bounds = array<i64: 20, 2048>}, {transform_indices = @transform_1, window_bounds = array<i64: 2048>}, {transform_indices = @transform_2, window_bounds = array<i64: 16, 128>}]} {
    %get3A = arith.constant 0 : index
    %get3A_0 = arith.constant 0 : index
    %get3A_1 = vector.load %arg1[%get3A, %get3A_0] : memref<20x2048xf32, #tpu.memory_space<vmem>>, vector<20x2048xf32>
    %exp3A = math.exp %get3A_1 : vector<20x2048xf32>
    %reduce_sum3A = arith.constant dense<0.000000e+00> : vector<2048xf32>
    %reduce_sum3A_2 = vector.multi_reduction <add>, %exp3A, %reduce_sum3A [0] : vector<20x2048xf32> to vector<2048xf32>
    %get3A_3 = arith.constant 0 : index
    %get3A_4 = vector.load %arg2[%get3A_3] : memref<2048xi32, #tpu.memory_space<vmem>>, vector<2048xi32>
    %reshape3A = vector.shape_cast %get3A_4 : vector<2048xi32> to vector<1x2048xi32>
    %iota3A = tpu.iota {dimensions = array<i32: 0>} : vector<20x2048xi32>
    %eq3A = vector.broadcast %reshape3A : vector<1x2048xi32> to vector<20x2048xi32>
    %eq3A_5 = arith.cmpi eq, %iota3A, %eq3A : vector<20x2048xi32>
    %jit3A = arith.constant 0.000000e+00 : f32
    %broadcast_in_dim3A = vector.broadcast %jit3A : f32 to vector<20x2048xf32>
    %select_n3A = arith.select %eq3A_5, %get3A_1, %broadcast_in_dim3A : vector<20x2048xi1>, vector<20x2048xf32>
    %reduce_sum3A_6 = arith.constant dense<0.000000e+00> : vector<2048xf32>
    %reduce_sum3A_7 = vector.multi_reduction <add>, %select_n3A, %reduce_sum3A_6 [0] : vector<20x2048xf32> to vector<2048xf32>
    %bitcast_convert_type3A = tpu.bitcast %reduce_sum3A_2 : vector<2048xf32> -> vector<2048xi32>
    %shift_right_arithmetic3A = arith.constant 23 : i32
    %shift_right_arithmetic3A_8 = vector.broadcast %shift_right_arithmetic3A : i32 to vector<2048xi32>
    %shift_right_arithmetic3A_9 = arith.shrsi %bitcast_convert_type3A, %shift_right_arithmetic3A_8 : vector<2048xi32>
    %sub3A = arith.constant 127 : i32
    %sub3A_10 = vector.broadcast %sub3A : i32 to vector<2048xi32>
    %sub3A_11 = arith.subi %shift_right_arithmetic3A_9, %sub3A_10 : vector<2048xi32>
    %convert_element_type3A = arith.sitofp %sub3A_11 : vector<2048xi32> to vector<2048xf32>
    %and3A = arith.constant 8388607 : i32
    %and3A_12 = vector.broadcast %and3A : i32 to vector<2048xi32>
    %and3A_13 = arith.andi %bitcast_convert_type3A, %and3A_12 : vector<2048xi32>
    %or3A = arith.constant 1065353216 : i32
    %or3A_14 = vector.broadcast %or3A : i32 to vector<2048xi32>
    %or3A_15 = arith.ori %and3A_13, %or3A_14 : vector<2048xi32>
    %bitcast_convert_type3A_16 = tpu.bitcast %or3A_15 : vector<2048xi32> -> vector<2048xf32>
    %mul3A = arith.constant -0.0548628531 : f32
    %mul3A_17 = vector.broadcast %mul3A : f32 to vector<2048xf32>
    %mul3A_18 = arith.mulf %mul3A_17, %bitcast_convert_type3A_16 : vector<2048xf32>
    %add3A = arith.constant 0.435861856 : f32
    %add3A_19 = vector.broadcast %add3A : f32 to vector<2048xf32>
    %add3A_20 = arith.addf %mul3A_18, %add3A_19 : vector<2048xf32>
    %mul3A_21 = arith.mulf %add3A_20, %bitcast_convert_type3A_16 : vector<2048xf32>
    %sub3A_22 = arith.constant 1.44248104 : f32
    %sub3A_23 = vector.broadcast %sub3A_22 : f32 to vector<2048xf32>
    %sub3A_24 = arith.subf %mul3A_21, %sub3A_23 : vector<2048xf32>
    %mul3A_25 = arith.mulf %sub3A_24, %bitcast_convert_type3A_16 : vector<2048xf32>
    %add3A_26 = arith.constant 2.79225516 : f32
    %add3A_27 = vector.broadcast %add3A_26 : f32 to vector<2048xf32>
    %add3A_28 = arith.addf %mul3A_25, %add3A_27 : vector<2048xf32>
    %mul3A_29 = arith.mulf %add3A_28, %bitcast_convert_type3A_16 : vector<2048xf32>
    %sub3A_30 = arith.constant 1.73063171 : f32
    %sub3A_31 = vector.broadcast %sub3A_30 : f32 to vector<2048xf32>
    %sub3A_32 = arith.subf %mul3A_29, %sub3A_31 : vector<2048xf32>
    %mul3A_33 = arith.constant 0.693147182 : f32
    %mul3A_34 = vector.broadcast %mul3A_33 : f32 to vector<2048xf32>
    %mul3A_35 = arith.mulf %mul3A_34, %convert_element_type3A : vector<2048xf32>
    %add3A_36 = arith.addf %mul3A_35, %sub3A_32 : vector<2048xf32>
    %sub3A_37 = arith.subf %add3A_36, %reduce_sum3A_7 : vector<2048xf32>
    %reshape3A_38 = vector.shape_cast %sub3A_37 : vector<2048xf32> to vector<16x128xf32>
    %swap3A = arith.constant 0 : index
    %swap3A_39 = arith.constant 0 : index
    %swap3A_40 = vector.load %arg3[%swap3A, %swap3A_39] : memref<16x128xf32, #tpu.memory_space<vmem>>, vector<16x128xf32>
    tpu.vector_store %arg3[%swap3A, %swap3A_39], %reshape3A_38 {strides = array<i32>} : memref<16x128xf32, #tpu.memory_space<vmem>>, vector<16x128xf32>,
    return
  }
  func.func @transform_0(%arg0: i32) -> (i32, i32) {
    %add3A = arith.constant 28 : i32
    %add3A_0 = arith.addi %arg0, %add3A : i32
    %c0_i32 = arith.constant 0 : i32
    %c0_i32_1 = arith.constant 0 : i32
    return %c0_i32, %add3A_0 : i32, i32
  }
  func.func @transform_1(%arg0: i32) -> i32 {
    %add3A = arith.constant 28 : i32
    %add3A_0 = arith.addi %arg0, %add3A : i32
    %c0_i32 = arith.constant 0 : i32
    return %add3A_0 : i32
  }
  func.func @transform_2(%arg0: i32) -> (i32, i32) {
    %c0_i32 = arith.constant 0 : i32
    %c0_i32_0 = arith.constant 0 : i32
    return %arg0, %c0_i32 : i32, i32
  }
}

module attributes {stable_mosaic.version = 14 : i64} {
  func.func @_tc_body(%arg0: memref<32x1024xf32, #tpu.memory_space<vmem>>, %arg1: memref<32x1024xf32, #tpu.memory_space<vmem>>, %arg2: memref<32x1024xf32, #tpu.memory_space<vmem>>, %arg3: memref<32x1024xf32, #tpu.memory_space<vmem>>, %arg4: memref<1x1xf32, #tpu.memory_space<smem>>) attributes {dimension_semantics = [], scalar_prefetch = 0 : i64, scratch_operands = 0 : i64, tpu.core_type = #tpu.core_type<tc>} {
    %get3A = arith.constant 0 : index
    %get3A_0 = arith.constant 0 : index
    %get3A_1 = vector.load %arg0[%get3A, %get3A_0] : memref<32x1024xf32, #tpu.memory_space<vmem>>, vector<32x1024xf32>
    %reduce_sum3A = arith.constant dense<0.000000e+00> : vector<1024xf32>
    %reduce_sum3A_2 = vector.multi_reduction <add>, %get3A_1, %reduce_sum3A [0] : vector<32x1024xf32> to vector<1024xf32>
    %get3A_3 = arith.constant 0 : index
    %get3A_4 = arith.constant 0 : index
    %get3A_5 = vector.load %arg2[%get3A_3, %get3A_4] : memref<32x1024xf32, #tpu.memory_space<vmem>>, vector<32x1024xf32>
    %reduce_sum3A_6 = arith.constant dense<0.000000e+00> : vector<1024xf32>
    %reduce_sum3A_7 = vector.multi_reduction <add>, %get3A_5, %reduce_sum3A_6 [0] : vector<32x1024xf32> to vector<1024xf32>
    %add3A = arith.addf %reduce_sum3A_2, %reduce_sum3A_7 : vector<1024xf32>
    %get3A_8 = arith.constant 0 : index
    %get3A_9 = arith.constant 0 : index
    %get3A_10 = vector.load %arg1[%get3A_8, %get3A_9] : memref<32x1024xf32, #tpu.memory_space<vmem>>, vector<32x1024xf32>
    %reduce_max3A = arith.constant dense<0xFF800000> : vector<1024xf32>
    %reduce_max3A_11 = vector.multi_reduction <maximumf>, %get3A_10, %reduce_max3A [0] : vector<32x1024xf32> to vector<1024xf32>
    %get3A_12 = arith.constant 0 : index
    %get3A_13 = arith.constant 0 : index
    %get3A_14 = vector.load %arg3[%get3A_12, %get3A_13] : memref<32x1024xf32, #tpu.memory_space<vmem>>, vector<32x1024xf32>
    %reduce_max3A_15 = arith.constant dense<0xFF800000> : vector<1024xf32>
    %reduce_max3A_16 = vector.multi_reduction <maximumf>, %get3A_14, %reduce_max3A_15 [0] : vector<32x1024xf32> to vector<1024xf32>
    %max3A = arith.maximumf %reduce_max3A_11, %reduce_max3A_16 : vector<1024xf32>
    %iota3A = tpu.iota {dimensions = array<i32: 1>} : vector<32x1024xi32>
    %reduce_max3A_17 = arith.constant dense<-2147483648> : vector<1024xi32>
    %reduce_max3A_18 = vector.multi_reduction <maxsi>, %iota3A, %reduce_max3A_17 [0] : vector<32x1024xi32> to vector<1024xi32>
    %gt3A = arith.constant -1.000000e+30 : f32
    %gt3A_19 = vector.broadcast %gt3A : f32 to vector<1024xf32>
    %gt3A_20 = arith.cmpf ogt, %max3A, %gt3A_19 : vector<1024xf32>
    %lt3A = arith.constant 1000 : i32
    %lt3A_21 = vector.broadcast %lt3A : i32 to vector<1024xi32>
    %lt3A_22 = arith.cmpi slt, %reduce_max3A_18, %lt3A_21 : vector<1024xi32>
    %and3A = arith.andi %gt3A_20, %lt3A_22 : vector<1024xi1>
    %mul3A = arith.constant 5.000000e-01 : f32
    %mul3A_23 = vector.broadcast %mul3A : f32 to vector<1024xf32>
    %mul3A_24 = arith.mulf %mul3A_23, %add3A : vector<1024xf32>
    %mul3A_25 = arith.constant 5.000000e-01 : f32
    %mul3A_26 = vector.broadcast %mul3A_25 : f32 to vector<1024xf32>
    %mul3A_27 = arith.mulf %mul3A_26, %max3A : vector<1024xf32>
    %add3A_28 = arith.addf %mul3A_24, %mul3A_27 : vector<1024xf32>
    %jit3A = arith.constant 0.000000e+00 : f32
    %broadcast_in_dim3A = vector.broadcast %jit3A : f32 to vector<1024xf32>
    %select_n3A = arith.select %and3A, %add3A_28, %broadcast_in_dim3A : vector<1024xi1>, vector<1024xf32>
    %reduce_sum3A_29 = vector.shape_cast %select_n3A : vector<1024xf32> to vector<1x1024xf32>
    %reduce_sum3A_30 = arith.constant dense<0.000000e+00> : vector<1xf32>
    %reduce_sum3A_31 = vector.multi_reduction <add>, %reduce_sum3A_29, %reduce_sum3A_30 [1] : vector<1x1024xf32> to vector<1xf32>
    %reduce_sum3A_32 = vector.shape_cast %reduce_sum3A_31 : vector<1xf32> to vector<1x1xf32>
    %reduce_sum3A_33 = vector.extract %reduce_sum3A_32[0, 0] : f32 from vector<1x1xf32>
    %convert_element_type3A = arith.extui %and3A : vector<1024xi1> to vector<1024xi32>
    %convert_element_type3A_34 = arith.sitofp %convert_element_type3A : vector<1024xi32> to vector<1024xf32>
    %reduce_sum3A_35 = vector.shape_cast %convert_element_type3A_34 : vector<1024xf32> to vector<1x1024xf32>
    %reduce_sum3A_36 = arith.constant dense<0.000000e+00> : vector<1xf32>
    %reduce_sum3A_37 = vector.multi_reduction <add>, %reduce_sum3A_35, %reduce_sum3A_36 [1] : vector<1x1024xf32> to vector<1xf32>
    %reduce_sum3A_38 = vector.shape_cast %reduce_sum3A_37 : vector<1xf32> to vector<1x1xf32>
    %reduce_sum3A_39 = vector.extract %reduce_sum3A_38[0, 0] : f32 from vector<1x1xf32>
    %max3A_40 = arith.constant 1.000000e+00 : f32
    %max3A_41 = arith.maximumf %reduce_sum3A_39, %max3A_40 : f32
    %div3A = arith.divf %reduce_sum3A_33, %max3A_41 : f32
    %swap3A = arith.constant 0 : index
    %swap3A_42 = arith.constant 0 : index
    %swap3A_43 = memref.load %arg4[%swap3A, %swap3A_42] : memref<1x1xf32, #tpu.memory_space<smem>>
    memref.store %div3A, %arg4[%swap3A, %swap3A_42] : memref<1x1xf32, #tpu.memory_space<smem>>
    return
  }
}

</mosaic_0001>

<sc_bundles>
// kernel: kernel.10.cloned.1.call-start
scs
__scs_entry_jumppad:
0x0: {  	(pc) =	sbr.rel $0x88, $3  }
0x1: {  	(tag) =	ssettag $0x0;
	lr =	simm.s32 $0x1  }
0x2: {  	[smem:$0x3F9E] =	sst lr;
	_ =	strace $0xD0000000  }
0x3: {  	_ = 	snop  }
0x4: {  	_ = 	snop  }
0x5: {  	_ = 	snop  }
0x6: {  	_ = 	snop  }
0x7: {  	_ = 	snop  }
__scs_overlays_trampoline_lowered:
0x8: {  	[smem:$0x3FAD] =	sst s0  }
0x9: {  	[smem:$0x3FAE] =	sst s1  }
0xa: {  	[smem:$0x3FAF] =	sst s2  }
0xb: {  	[smem:$0x3FB0] =	sst s3  }
0xc: {  	[smem:$0x3FB1] =	sst s4  }
0xd: {  	[smem:$0x3FB2] =	sst s5  }
0xe: {  	[smem:$0x3FB3] =	sst s6  }
0xf: {  	[smem:$0x3FB4] =	sst s7  }
0x10: {  	[smem:$0x3FB5] =	sst s8  }
0x11: {  	[smem:$0x3FB6] =	sst s9;
	s0 =	simm.s32 @!p0 $0x0  }
0x12: {  	s1 =	sld [smem:$0x3F9C];
	s0 =	simm.s32 @p0 $0x1  }
0x13: {  	[smem:$0x3FB7] =	sst s0;
	s0 =	simm.s32 @!p1 $0x0  }
0x14: {  	s2 =	sld [smem:$0x3F9B];
	s0 =	simm.s32 @p1 $0x1  }
0x15: {  	[smem:$0x3FB8] =	sst s0;
	s0 =	simm.s32 @!p2 $0x0  }
0x16: {  	s3 =	sld [smem:$0x3FDB];
	s0 =	simm.s32 @p2 $0x1  }
0x17: {  	s4 =	simm.s32 $0x1BF5;
	[smem:$0x3FBA] =	sst s0  }
0x18: {  	s0 =	sld [smem:$0x3F9D];
	_ =	swait.ge [sflag:s4], $0x0  }
0x19: {  	s7 =	sld [smem:$0x3F9E]  }
0x1a: {  	s8 =	sadd.s32 $0xFFFFE003, lr  }
0x1b: {  	s9 =	sadd.s32 $0xFFFFFEF7, lr;
	s5 =	simm.s32 $0xFFFFFFFF;
	p2 =	slt.u32 s8, $0xFFFFF086  }
0x1c: {  	p1 =	slt.u32 s9, $0xF7A;
	s5 =	simm.s32 @!p2 $0x0  }
0x1d: {  	s5 =	simm.s32 @p1 $0x1;
	p0 =	seq.s32 s7, s2  }
0x1e: {  	s7 =	smul.u32 @!p0 $0xF7A, s2;
	p2 =	seq.s32 @!p0 s5, $0x0  }
0x1f: {  	s9 =	smul.u32 $0xF7A, s1;
	s8 =	simm.s32 @!p0 $0x1BF5;
	p2 =	por !p2, p0  }
0x20: {  	[sflag:s8] =	ssyncset.s32 @!p0 $0xFFFFF086;
	s6 =	sadd.s32 @!p0 s3, s7;
	s7 =	simm.s32 @!p0 $0x108  }
0x21: {  	s3 =	sadd.s32 s3, s9;
	s6 =	sadd.s32 @!p0 $0x88, s6;
	s7 =	simm.s32 @p2 $0x1082  }
0x22: {  	[simem:s7], [sflag:s8] =	dma.local @!p0 [hbm:s6], $0xF7A  }
0x23: {  	s9 =	sor.u32 $0xD0000000, s2;
	s6 =	simm.s32 $0x108;
	_ =	swait.ge @!p0 [sflag:s8], $0x0  }
0x24: {  	s3 =	sadd.s32 $0x88, s3;
	s6 =	simm.s32 @!p1 $0x1082;
	[sflag:s4] =	ssyncset.s32 $0xFFFFF086  }
0x25: {  	[simem:s6], [sflag:s4] =	dma.local [hbm:s3], $0xF7A  }
0x26: {  	[smem:$0x3F9E] =	sst s1;
	(tag) =	ssettag s2;
	_ =	strace s9  }
0x27: {  	s1 =	sld [smem:$0x3FAE]  }
0x28: {  	s2 =	sld [smem:$0x3FAF]  }
0x29: {  	s4 =	sld [smem:$0x3FB1]  }
0x2a: {  	p0 =	seq.s32 s5, $0x0;
	s5 =	sld [smem:$0x3FB2]  }
0x2b: {  	s6 =	sld [smem:$0x3FB3]  }
0x2c: {  	s7 =	sld [smem:$0x3FB4]  }
0x2d: {  	s3 =	simm.s32 $0x108;
	s8 =	sld [smem:$0x3FB5]  }
0x2e: {  	s3 =	simm.s32 @!p0 $0x1082;
	s9 =	sld [smem:$0x3FB6]  }
0x2f: {  	lr =	sadd.s32 s0, s3;
	s0 =	sld [smem:$0x3FAD]  }
0x30: {  	s3 =	sld [smem:$0x3FB0]  }
0x31: {  	[smem:$0x3FB9] =	sst s10  }
0x32: {  	s10 =	sld [smem:$0x3FB7];
	_ =	sdelay $0x3  }
0x33: {  	p0 =	seq.s32 s10, $0x1;
	s10 =	sld [smem:$0x3FB9];
	_ =	sdelay $0x3  }
0x34: {  	[smem:$0x3FB9] =	sst s10  }
0x35: {  	s10 =	sld [smem:$0x3FB8];
	_ =	sdelay $0x3  }
0x36: {  	p1 =	seq.s32 s10, $0x1;
	s10 =	sld [smem:$0x3FB9];
	_ =	sdelay $0x3  }
0x37: {  	[smem:$0x3FB9] =	sst s10  }
0x38: {  	s10 =	sld [smem:$0x3FBA]  }
0x39: {  	_ = 	snop;
	(pc) =	sbr.ind lr, $3  }
0x3a: {  	_ = 	snop  }
0x3b: {  	_ = 	snop  }
0x3c: {  	p2 =	seq.s32 s10, $0x1;
	s10 =	sld [smem:$0x3FB9]  }
0x3d: {  	_ =	shalt  }
0x3e: {  	_ =	shalt  }
0x3f: {  	_ =	shalt  }
0x40: {  	_ =	shalt  }
0x41: {  	_ =	shalt  }
0x42: {  	_ =	shalt  }
0x43: {  	_ =	shalt  }
0x44: {  	_ =	shalt  }
0x45: {  	_ =	shalt  }
0x46: {  	_ =	shalt  }
0x47: {  	_ =	shalt  }
0x48: {  	_ =	shalt  }
0x49: {  	_ =	shalt  }
0x4a: {  	_ =	shalt  }
0x4b: {  	_ =	shalt  }
0x4c: {  	_ =	shalt  }
0x4d: {  	_ =	shalt  }
0x4e: {  	_ =	shalt  }
0x4f: {  	_ =	shalt  }
0x50: {  	_ =	shalt  }
0x51: {  	_ =	shalt  }
0x52: {  	_ =	shalt  }
0x53: {  	_ =	shalt  }
0x54: {  	_ =	shalt  }
0x55: {  	_ =	shalt  }
0x56: {  	_ =	shalt  }
0x57: {  	_ =	shalt  }
0x58: {  	_ =	shalt  }
0x59: {  	_ =	shalt  }
0x5a: {  	_ =	shalt  }
0x5b: {  	_ =	shalt  }
0x5c: {  	_ =	shalt  }
0x5d: {  	_ =	shalt  }
0x5e: {  	_ =	shalt  }
0x5f: {  	_ =	shalt  }
0x60: {  	_ =	shalt  }
0x61: {  	_ =	shalt  }
0x62: {  	_ =	shalt  }
0x63: {  	_ =	shalt  }
0x64: {  	_ =	shalt  }
0x65: {  	_ =	shalt  }
0x66: {  	_ =	shalt  }
0x67: {  	_ =	shalt  }
0x68: {  	_ =	shalt  }
0x69: {  	_ =	shalt  }
0x6a: {  	_ =	shalt  }
0x6b: {  	_ =	shalt  }
0x6c: {  	_ =	shalt  }
0x6d: {  	_ =	shalt  }
0x6e: {  	_ =	shalt  }
0x6f: {  	_ =	shalt  }
0x70: {  	_ =	shalt  }
0x71: {  	_ =	shalt  }
0x72: {  	_ =	shalt  }
0x73: {  	_ =	shalt  }
0x74: {  	_ =	shalt  }
0x75: {  	_ =	shalt  }
0x76: {  	_ =	shalt  }
0x77: {  	_ =	shalt  }
0x78: {  	_ =	shalt  }
0x79: {  	_ =	shalt  }
0x7a: {  	_ =	shalt  }
0x7b: {  	_ =	shalt  }
0x7c: {  	_ =	shalt  }
0x7d: {  	_ =	shalt  }
0x7e: {  	_ =	shalt  }
0x7f: {  	_ =	shalt  }
0x80: {  	_ =	shalt  }
0x81: {  	_ =	shalt  }
0x82: {  	_ =	shalt  }
0x83: {  	_ =	shalt  }
0x84: {  	_ =	shalt  }
0x85: {  	_ =	shalt  }
0x86: {  	_ =	shalt  }
0x87: {  	_ =	shalt  }
.Lfunc_end0:
.L_simem_size_0:
called_computation.1_lowered:
.L_overlay_start_0:
0x88: {  	s2 =	sld [smem:$0x3FD9]  }
0x89: {  	s3 =	sld [smem:$0x3FFE];
	_ =	sdelay $0x1  }
0x8a: {  	s1 =	srdreg.scid  }
0x8b: {  	s0 =	sand.u32 $0x1, s1  }
0x8c: {  	s17 =	sshll.u32 s0, $0xA;
	s2 =	sadd.s32 s3, s2  }
0x8d: {  	s2 =	sadd.s32 s2, s17  }
0x8e: {  	[smem:$0x3FC5] =	sst s2  }
0x8f: {  	_ = 	snop  }
0x90: {  	s18 =	sld [smem:$0x3FC7];
	(tm) =	ssettm $0x1  }
0x91: {  	s19 =	sld [smem:$0x3FFB];
	_ =	sdelay $0x3  }
0x92: {  	_ =	strace s19  }
0x93: {  	s2 =	sld [smem:$0x3FFC];
	_ =	sdelay $0x3  }
0x94: {  	_ =	strace s2  }
0x95: {  	s2 =	sld [smem:$0x3FFD];
	_ =	sdelay $0x3  }
0x96: {  	_ =	strace s2  }
0x97: {  	_ =	strace $0x8FFFFFFF  }
0x98: {  	s20 =	sld [smem:$0x3FDB];
	_ =	sdelay $0x1  }
0x99: {  	s4 =	simm.s32 $_scs_section_size  }
0x9a: {  	s5 =	simm.s32 $_size__tile_overlayer_lowered;
	s6 =	simm.s32 $_tile_overlayer_lowered  }
0x9b: {  	s7 =	simm.s32 $0x1BFF;
	s21 =	sshll.u32 s6, $0x1;
	s4 =	sadd.s32 s4, s20  }
0x9c: {  	s22 =	simm.s32 $0x0;
	s5 =	sshll.u32 s5, $0x1;
	s6 =	sadd.s32 s21, s4  }
0x9d: {  	[timem:s22], [sflag:s7] =	dma.local [hbm:s6], s5  }
0x9e: {  	_ =	swait.ge [sflag:s7], s5  }
0x9f: {  	s5 =	ssub.s32 $0x0, s5;
	[sflag:s7] =	ssyncset.done $0x0  }
0xa0: {  	[sflag:s7] =	ssyncadd.s32 s5;
	_ =	sdelay $0x1  }
0xa1: {  	s23 =	simm.s32 $0x1B8B  }
0xa2: {  	_ =	swait.ge [sflag:s23], $0x1  }
0xa3: {  	[sflag:s23] =	ssyncset.done $0x0  }
0xa4: {  	[sflag:s23] =	ssyncadd.s32 $0xFFFFFFFF  }
0xa5: {  	s5 =	sld [smem:$0x0]  }
0xa6: {  	s6 =	sand.u32 $0xFFFFFFFE, s1  }
0xa7: {  	p0 =	sne.s32 s1, s6  }
0xa8: {  	s6 =	sshll.u32 @p0 s6, $0xE  }
0xa9: {  	s6 =	sadd.s32 @p0 $0x11B8D, s6;
	s7 =	sshll.u32 @p0 s5, $0x11  }
0xaa: {  	s6 =	sor.u32 @p0 s7, s6  }
0xab: {  	[sflag:s6] =	ssyncadd.remote.s32 @p0 $0x1;
	_ =	sdelay $0x1  }
0xac: {  	s6 =	simm.s32 @p0 $0x1B8D  }
0xad: {  	_ =	swait.eq @p0 [sflag:s6], $0x1  }
0xae: {  	[sflag:s6] =	ssyncadd.s32 @p0 $0xFFFFFFFF  }
0xaf: {  	s7 =	sshll.u32 @!p0 s1, $0xE  }
0xb0: {  	s7 =	sor.u32 @!p0 $0x4000, s7;
	s6 =	simm.s32 @!p0 $0x1B8D  }
0xb1: {  	s5 =	sshll.u32 @!p0 s5, $0x11;
	s7 =	sadd.s32 @!p0 $0x11B8D, s7;
	_ =	swait.eq @!p0 [sflag:s6], $0x1  }
0xb2: {  	s5 =	sor.u32 @!p0 s5, s7;
	[sflag:s6] =	ssyncadd.s32 @!p0 $0xFFFFFFFF  }
0xb3: {  	s25 =	simm.s32 $0x1B8E;
	s24 =	sld [smem:$0x3FFE];
	[sflag:s5] =	ssyncadd.remote.s32 @!p0 $0x1  }
0xb4: {  	s26 =	simm.s32 $execute0_lowered;
	[smem:$0x3FD2] =	sst s25  }
0xb5: {  	s6 =	sshll.u32 s26, $0x1;
	_ =	strace $0x80000049;
	[dreg:$0x1] =	wrdreg $0xFFFFFFFF  }
0xb6: {  	s28 =	simm.s32 $_size_execute0_lowered;
	s4 =	sadd.s32 s4, s6;
	[dreg:$0x0] =	wrdreg $0x0  }
0xb7: {  	s6 =	sshll.u32 s28, $0x1;
	[dreg:$0x2] =	wrdreg s4  }
0xb8: {  	[dreg:$0x3] =	wrdreg s6  }
0xb9: {  	[dreg:$0x4] =	wrdreg $0xC0  }
0xba: {  	_ =	task [dreg:s22], $0x5FFFF  }
0xbb: {  	[dreg:$0x1] =	wrdreg $0xFFFFFFFF  }
0xbc: {  	[dreg:$0x0] =	wrdreg $0x60  }
0xbd: {  	[dreg:$0x2] =	wrdreg s24  }
0xbe: {  	[dreg:$0x3] =	wrdreg s18  }
0xbf: {  	[dreg:$0x4] =	wrdreg $0xA  }
0xc0: {  	_ =	task.clear_ibuf [dreg:s22], $0x5FFFF;
	_ =	strace $0x90000049  }
0xc1: {  	s29 =	simm.s32 $0xA;
	_ =	strace $0x8000004B  }
0xc2: {  	_ =	swait.ge [sflag:s29], $0x1  }
0xc3: {  	[sflag:s29] =	ssyncadd.s32 $0xFFFFFFFF  }
0xc4: {  	_ =	strace $0x9000004B  }
0xc5: {  	_ =	sfence  }
0xc6: {  	s30 =	sld [smem:$0x0];
	_ =	sdelay $0x2  }
0xc7: {  	s31 =	sshll.u32 s1, $0xD;
	s1 =	sshrl.u32 s1, $0x2  }
0xc8: {  	s4 =	sand.u32 $0x4000, s31;
	s1 =	sadd.s32 s1, s30  }
0xc9: {  	s0 =	sor.u32 s4, s0;
	s1 =	sshll.u32 s1, $0x11  }
0xca: {  	s0 =	sor.u32 s1, s0  }
0xcb: {  	s0 =	sadd.s32 $0x8F2B, s0  }
0xcc: {  	[sflag:s0] =	ssyncadd.remote.s32 $0x1  }
0xcd: {  	_ =	sfence.sel $0xFFFF  }
0xce: {  	[dreg:$0x0] =	wrdreg $0xFFFFFFFF;
	(pc) =	sbr.abs _section_cstart, $3  }
0xcf: {  	[dreg:$0x1] =	wrdreg $0xFFFFFFFF  }
0xd0: {  	_ =	task.clear_ibuf [dreg:s22], $0x2FFFF;
	_ =	strace $0x9FFFFFFF  }
0xd1: {  	(tm) =	ssettm $0x7FFFFFFF  }
tec
execute0_lowered:
.L_overlay_start_1:
0x0: {  	(tag) =	ssettag $0x1  }
0x1: {  	v0 =	vimm.s32 $0xEDCBA987;
	v1 =	vimm.s32 $0x65432100;
	v3 =	vimm.s32 $0xDCBA9876  }
0x2: {  	s3 =	rddreg [dreg:$0x0];
	s1 =	srdreg.scid;
	v4 =	vimm.s32 $0x54321000;
	v5 =	vimm.s32 $0xE40000;
	v0 =	vunpack.c.l.s4.s8 v0  }
0x3: {  	s0 =	stileid.u32;
	s5 =	rddreg [dreg:$0x1];
	v6 =	vimm.s32 $0xBA987654;
	v8 =	vimm.s32 $0x87654321;
	v1 =	vunpack.c.l.s4.s8 v1  }
0x4: {  	s2 =	simm.s32 $0x0;
	vm0 =	vcmask $0x3F30;
	s12 =	simm.s32 $0x1180;
	vm1 =	vcmask $0x3F08;
	s13 =	simm.s32 $0x1580;
	v2 =	vunpack.c.0.s8.s32 v0  }
0x5: {  	s14 =	simm.s32 $0x80;
	s15 =	simm.s32 $0x400;
	s16 =	simm.s32 $0x0;
	v3 =	vunpack.c.l.s4.s8 v3;
	v5 =	vunpack.c.l.s2.s4 v5;
	v1 =	vunpack.c.0.s8.s32 v1  }
0x6: {  	vm2 =	vcmask $0x3F10;
	s4 =	sand.u32 $0x1, s1;
	s6 =	sshll.u32 s0, $0x1;
	s1 =	rddreg [dreg:$0x2];
	v4 =	vunpack.c.l.s4.s8 v4;
	v2 =	vand.u32 $0xF, v2  }
0x7: {  	[smem:$0x7FF] =	sst s2;
	s7 =	sshll.u32 s0, $0x8;
	s30 =	smul.u32 $0xA80, s0;
	v5 =	vunpack.c.l.s4.s8 v5;
	v1 =	vcombine.low v1, v2;
	v2 =	vunpack.c.0.s8.s32 v3  }
0x8: {  	vm3 =	vcmask $0x3F20;
	v8 =	vunpack.c.l.s4.s8 v8;
	s10 =	sor.u32 s4, s6;
	_ =	strace $0x8000004A;
	s31 =	smul.u32 $0x540, s4;
	v4 =	vunpack.c.0.s8.s32 v4  }
0x9: {  	s29 =	ssub.s32 $0x2, s4;
	s6 =	smul.u32 $0x540, s10;
	s8 =	sshll.u32 s10, $0x4;
	v5 =	vunpack.c.0.s8.s32 v5;
	v3 =	vunpack.c.l.s4.s8 v6;
	v2 =	vand.u32 $0xF, v2  }
0xa: {  	s11 =	sshrl.u32 s29, $0x1;
	p0 =	seq.s32 s10, $0x1F;
	s10 =	simm.s32 $0x1;
	v6 =	vimm.s32 $0x32100000;
	v2 =	vcombine.low v4, v2;
	v4 =	vimm.s32 $0x7060504  }
0xb: {  	s7 =	sor.u32 s7, s8;
	s8 =	ssub.s32 s29, s11;
	s11 =	simm.s32 $0xC00;
	v6 =	vunpack.c.l.s4.s8 v6;
	v7 =	vunpack.c.0.s8.s32 v4;
	v4 =	vimm.s32 $0xFFEDCBA9  }
.Ltmp0:
0xc: {  	vm4 =	vcmask $0x3F3C;
	s6 =	sshrl.u32 s6, $0x3;
	s7 =	sand.u32 $0xC70, s7;
	v3 =	vunpack.c.0.s8.s32 v3;
	v9 =	vunpack.c.l.s4.s8 v4;
	(pc) =	sbr.rel .LBB2_1-.Ltmp0, $4  }
0xd: {  	v8 =	vunpack.c.0.s8.s32 v8;
	s8 =	smax.u32 s8, $0x1;
	s9 =	sand.u32 $0x1F80, s6;
	s7 =	sadd.s32 s7, s3;
	v5 =	vand.u32 $0x3, v5;
	v6 =	vunpack.c.0.s8.s32 v6  }
0xe: {  	s6 =	sadd.s32 s5, s6;
	s5 =	sadd.s32 $0x3058, s5;
	s9 =	sadd.s32 s9, s3;
	v3 =	vand.u32 $0xF, v3;
	v5 =	vsel vm0, v7, v5;
	v7 =	vunpack.c.0.s8.s32 v9  }
0xf: {  	v0 =	vimm.f32 $0.0e+00;
	s4 =	sadd.s32 $0x1C00, s6;
	s3 =	sadd.s32 $0x6000, s9;
	s9 =	sadd.s32 s31, s30;
	v3 =	vcombine.low v6, v3;
	v4 =	vimm.f32 $-3.000000010e+38  }
0x10: {  	s6 =	sadd.s32 $0x7600, s7;
	s7 =	sadd.s32 $0x8600, s7;
	s9 =	sand.u32 $0x3C0, s9;
	v6 =	vlaneseq.u32;
	vm0 =	vcmask $0x3F04;
	v7 =	vcombine.low v8, v7  }
.LBB2_6:
0x11: {  	_ =	sdelay $0x4  }
0x12: {  	[tilespmem:v8+s13+$0x0] =	vst.idx.msk vm5, v10  }
0x13: {  	v8 =	vld [tilespmem:s18+$0xC00];
	_ =	sdelay $0x1  }
0x14: {  	v9 =	vld.idx.msk [tilespmem:v9+s2+$0x0], $0xffff;
	_ =	sdelay $0x2  }
0x15: {  	v55 =	vperm.xlane v8, v1;
	_ =	sdelay $0x1  }
0x16: {  	v56 =	vperm.xlane v9, v1;
	vm5 =	veq.s32 v55, v8  }
0x17: {  	vm5 =	vmand vm5, vm0  }
0x18: {  	v11 =	vperm.xlane v8, v2;
	v10 =	vnsel vm5, $0xFF61B1E6, v56  }
0x19: {  	v10 =	vmax.f32 v9, v10  }
0x1a: {  	vm5 =	veq.s32 v11, v8;
	v57 =	vperm.xlane v10, v2  }
0x1b: {  	vm5 =	vmand vm5, vm1  }
0x1c: {  	v12 =	vperm.xlane v8, v3;
	v11 =	vnsel vm5, $0xFF61B1E6, v57  }
0x1d: {  	v10 =	vmax.f32 v10, v11  }
0x1e: {  	v58 =	vperm.xlane v8, v7;
	vm5 =	veq.s32 v12, v8;
	v59 =	vperm.xlane v10, v3  }
0x1f: {  	vm5 =	vmand vm5, vm2  }
0x20: {  	v60 =	vperm.xlane v8, v5;
	vm6 =	vne.s32 v58, v8;
	[tilespmem:v8+s12+$0x0] =	vst.idx.add.f32.msk $0xffff, v9;
	v61 =	vnsel vm5, $0xFF61B1E6, v59  }
0x21: {  	v62 =	vld.idx.msk [tilespmem:v8+s13+$0x0], $0xffff;
	vm5 =	vmor vm6, vm4;
	v10 =	vmax.f32 v10, v61  }
0x22: {  	vm6 =	veq.s32 v60, v8;
	v63 =	vperm.xlane v10, v5  }
0x23: {  	vm6 =	vmand vm6, vm3  }
0x24: {  	v9 =	vnsel vm6, $0xFF61B1E6, v63  }
0x25: {  	v9 =	vmax.f32 v10, v9  }
0x26: {  	v9 =	vmax.f32 v62, v9  }
0x27: {  	[tilespmem:v8+s13+$0x0] =	vst.idx.msk vm5, v9  }
.LBB2_10:
0x28: {  	[hbm4b:s6+s14] =	stream.strided.scatter [tilespmem:s12], [sflag:$0x1], $0x400, s15, s14, $0x38;
	[tilespmem:$0x1980] =	vst v63  }
0x29: {  	s16 =	sadd.s32 $0x1, s16;
	_ =	swait.ge [sflag:s10], $0x400  }
0x2a: {  	p1 =	sne.s32 s16, s8;
	[sflag:s10] =	ssyncset.done $0x0  }
.Ltmp1:
0x2b: {  	[sflag:s10] =	ssyncadd.s32 $0xFFFFFC00;
	(pc) =	sbr.rel @!p1 .LBB2_11-.Ltmp1, $4  }
0x2c: {  	[hbm4b:s7+s14] =	stream.strided.scatter [tilespmem:s13], [sflag:$0x1], $0x400, s15, s14, $0x38;
	[tilespmem:$0x1980] =	vst v63  }
0x2d: {  	_ =	swait.ge [sflag:s10], $0x400  }
0x2e: {  	[sflag:s10] =	ssyncset.done $0x0  }
0x2f: {  	[sflag:s10] =	ssyncadd.s32 $0xFFFFFC00  }
.LBB2_1:
0x30: {  	s17 =	simm.s32 $0x40;
	s18 =	simm.s32 $0x0  }
.LBB2_2:
0x31: {  	p1 =	sne.s32 s17, $0xFC0;
	[tilespmem:s18+$0x1180] =	vst v0;
	s19 =	smov.u32 s17;
	s17 =	sadd.s32 $0x40, s17  }
.Ltmp2:
0x32: {  	[tilespmem:s18+$0x1580] =	vst v4;
	(pc) =	sbr.rel @p1 .LBB2_2-.Ltmp2, $2  }
0x33: {  	_ =	sdelay $0x2  }
0x34: {  	s18 =	sshra.s32 s19, $0x2  }
0x35: {  	[tilespmem:s18+$0x1180] =	vst v0  }
.Ltmp3:
0x36: {  	[tilespmem:s18+$0x1580] =	vst v4;
	(pc) =	sbr.rel @!p0 .LBB2_4-.Ltmp3, $4  }
0x37: {  	[tilespmem:s2], [sflag:$0x1] =	stream.linear.gather [hbm4b:s3+s2], $0xC00, $0x38;
	[tilespmem:$0x1980] =	vst v63  }
0x38: {  	_ =	swait.ge [sflag:s10], $0xC00  }
0x39: {  	[sflag:s10] =	ssyncset.done $0x0  }
0x3a: {  	s17 =	simm.s32 $0x0;
	[sflag:s10] =	ssyncadd.s32 $0xFFFFF400  }
0x3b: {  	[tilespmem:s11], [sflag:$0x1] =	stream.linear.gather [hbm4b:s5+s17], $0x3E0, $0x38;
	[tilespmem:$0x1980] =	vst v63  }
0x3c: {  	v9 =	vor.u32 s9, v6;
	_ =	swait.ge [sflag:s10], $0x3E0  }
0x3d: {  	[sflag:s10] =	ssyncset.done $0x0  }
0x3e: {  	s31 =	simm.s32 $0x0;
	[sflag:s10] =	ssyncadd.s32 $0xFFFFFC20  }
0x3f: {  	v8 =	vld [tilespmem:s31+$0xC00];
	_ =	sdelay $0x1  }
0x40: {  	v9 =	vld.idx.msk [tilespmem:v9+s2+$0x0], $0xffff;
	_ =	sdelay $0x2  }
0x41: {  	v10 =	vperm.xlane v8, v1;
	_ =	sdelay $0x1  }
0x42: {  	vm5 =	veq.s32 v10, v8;
	v10 =	vperm.xlane v9, v1  }
0x43: {  	vm5 =	vmand vm5, vm0  }
0x44: {  	v11 =	vperm.xlane v8, v2;
	v10 =	vnsel vm5, $0xFF61B1E6, v10  }
0x45: {  	v10 =	vmax.f32 v9, v10  }
0x46: {  	vm5 =	veq.s32 v11, v8;
	v11 =	vperm.xlane v10, v2  }
0x47: {  	vm5 =	vmand vm5, vm1  }
0x48: {  	v12 =	vperm.xlane v8, v3;
	v11 =	vnsel vm5, $0xFF61B1E6, v11  }
0x49: {  	v10 =	vmax.f32 v10, v11  }
0x4a: {  	vm5 =	veq.s32 v12, v8;
	v11 =	vperm.xlane v10, v3  }
0x4b: {  	vm5 =	vmand vm5, vm2  }
0x4c: {  	[tilespmem:v8+s12+$0x0] =	vst.idx.add.f32.msk $0xffff, v9;
	v9 =	vperm.xlane v8, v5;
	v11 =	vnsel vm5, $0xFF61B1E6, v11  }
0x4d: {  	v10 =	vmax.f32 v10, v11  }
0x4e: {  	vm5 =	veq.s32 v9, v8;
	v11 =	vperm.xlane v8, v7;
	v9 =	vperm.xlane v10, v5  }
0x4f: {  	vm5 =	vmand vm5, vm3  }
0x50: {  	v9 =	vnsel vm5, $0xFF61B1E6, v9;
	vm5 =	vne.s32 v11, v8  }
0x51: {  	v63 =	vld.idx.msk [tilespmem:v8+s13+$0x0], $0xffff;
	vm5 =	vmor vm5, vm4;
	_ =	sdelay $0x1  }
0x52: {  	s17 =	sadd.s32 $0x10, s9  }
0x53: {  	v10 =	vmax.f32 v10, v9;
	v9 =	vor.u32 s17, v6;
	_ =	sdelay $0x1  }
0x54: {  	s18 =	simm.s32 $0x10;
	s19 =	simm.s32 $0x80;
	v10 =	vmax.f32 v63, v10  }
.LBB2_8:
0x55: {  	s20 =	sshra.s32 s19, $0x2;
	p1 =	sne.s32 s19, $0xF40;
	s19 =	sadd.s32 $0x40, s19;
	[tilespmem:v8+s13+$0x0] =	vst.idx.msk vm5, v10  }
0x56: {  	v8 =	vld [tilespmem:s18+$0xC00];
	s18 =	smov.u32 s20  }
0x57: {  	v9 =	vld.idx.msk [tilespmem:v9+s2+$0x0], $0xffff;
	_ =	sdelay $0x3  }
0x58: {  	v10 =	vperm.xlane v8, v1;
	v11 =	vperm.xlane v8, v2  }
0x59: {  	v12 =	vperm.xlane v8, v3;
	v13 =	vperm.xlane v8, v7  }
0x5a: {  	vm5 =	veq.s32 v10, v8;
	v10 =	vperm.xlane v9, v1;
	vm6 =	veq.s32 v11, v8  }
0x5b: {  	vm7 =	veq.s32 v12, v8;
	vm8 =	vne.s32 v13, v8;
	[tilespmem:v8+s12+$0x0] =	vst.idx.add.f32.msk $0xffff, v9;
	vm5 =	vmand vm5, vm0  }
0x5c: {  	v11 =	vperm.xlane v8, v5;
	v10 =	vnsel vm5, $0xFF61B1E6, v10  }
0x5d: {  	v9 =	vmax.f32 v9, v10  }
0x5e: {  	vm9 =	veq.s32 v11, v8;
	v10 =	vperm.xlane v9, v2  }
0x5f: {  	vm5 =	vmand vm6, vm1  }
0x60: {  	v10 =	vnsel vm5, $0xFF61B1E6, v10  }
0x61: {  	v9 =	vmax.f32 v9, v10  }
0x62: {  	v10 =	vperm.xlane v9, v3  }
0x63: {  	vm5 =	vmand vm7, vm2  }
0x64: {  	v10 =	vnsel vm5, $0xFF61B1E6, v10;
	v11 =	vld.idx.msk [tilespmem:v8+s13+$0x0], $0xffff  }
0x65: {  	vm5 =	vmor vm8, vm4;
	v10 =	vmax.f32 v9, v10  }
.Ltmp4:
0x66: {  	v12 =	vperm.xlane v10, v5;
	(pc) =	sbr.rel @p1 .LBB2_8-.Ltmp4, $4  }
0x67: {  	s17 =	sadd.s32 $0x10, s17;
	vm6 =	vmand vm9, vm3  }
0x68: {  	v9 =	vor.u32 s17, v6;
	v12 =	vnsel vm6, $0xFF61B1E6, v12  }
0x69: {  	v10 =	vmax.f32 v10, v12  }
0x6a: {  	v10 =	vmax.f32 v11, v10  }
0x6b: {  	_ =	sdelay $0x4  }
0x6c: {  	[tilespmem:v8+s13+$0x0] =	vst.idx.msk vm5, v10  }
0x6d: {  	v8 =	vld [tilespmem:s18+$0xC00];
	_ =	sdelay $0x1  }
0x6e: {  	v9 =	vld.idx.msk [tilespmem:v9+s2+$0x0], $0xffff;
	_ =	sdelay $0x2  }
0x6f: {  	v55 =	vperm.xlane v8, v1;
	_ =	sdelay $0x1  }
0x70: {  	v56 =	vperm.xlane v9, v1;
	vm5 =	veq.s32 v55, v8  }
0x71: {  	vm5 =	vmand vm5, vm0  }
0x72: {  	v11 =	vperm.xlane v8, v2;
	v10 =	vnsel vm5, $0xFF61B1E6, v56  }
0x73: {  	v10 =	vmax.f32 v9, v10  }
0x74: {  	vm5 =	veq.s32 v11, v8;
	v57 =	vperm.xlane v10, v2  }
0x75: {  	vm5 =	vmand vm5, vm1  }
0x76: {  	v12 =	vperm.xlane v8, v3;
	v11 =	vnsel vm5, $0xFF61B1E6, v57  }
0x77: {  	v10 =	vmax.f32 v10, v11  }
0x78: {  	v58 =	vperm.xlane v8, v7;
	vm5 =	veq.s32 v12, v8;
	v59 =	vperm.xlane v10, v3  }
0x79: {  	vm5 =	vmand vm5, vm2  }
0x7a: {  	v60 =	vperm.xlane v8, v5;
	vm6 =	vne.s32 v58, v8;
	[tilespmem:v8+s12+$0x0] =	vst.idx.add.f32.msk $0xffff, v9;
	v61 =	vnsel vm5, $0xFF61B1E6, v59  }
0x7b: {  	v62 =	vld.idx.msk [tilespmem:v8+s13+$0x0], $0xffff;
	vm5 =	vmor vm6, vm4;
	v10 =	vmax.f32 v10, v61  }
0x7c: {  	vm6 =	veq.s32 v60, v8;
	v63 =	vperm.xlane v10, v5  }
.Ltmp5:
0x7d: {  	vm6 =	vmand vm6, vm3;
	(pc) =	sbr.rel .LBB2_10-.Ltmp5, $4  }
0x7e: {  	v9 =	vnsel vm6, $0xFF61B1E6, v63  }
0x7f: {  	v9 =	vmax.f32 v10, v9  }
0x80: {  	v9 =	vmax.f32 v62, v9  }
0x81: {  	[tilespmem:v8+s13+$0x0] =	vst.idx.msk vm5, v9  }
.LBB2_4:
0x82: {  	[tilespmem:s11], [sflag:$0x1] =	stream.linear.gather [hbm4b:s4+s17], $0x540, $0x38;
	[tilespmem:$0x1980] =	vst v63  }
0x83: {  	v9 =	vor.u32 s9, v6;
	_ =	swait.ge [sflag:s10], $0x540  }
0x84: {  	[sflag:s10] =	ssyncset.done $0x0  }
0x85: {  	s31 =	simm.s32 $0x0;
	[sflag:s10] =	ssyncadd.s32 $0xFFFFFAC0  }
0x86: {  	v8 =	vld [tilespmem:s31+$0xC00];
	_ =	sdelay $0x1  }
0x87: {  	v9 =	vld.idx.msk [tilespmem:v9+s2+$0x0], $0xffff;
	_ =	sdelay $0x2  }
0x88: {  	v10 =	vperm.xlane v8, v1;
	_ =	sdelay $0x1  }
0x89: {  	vm5 =	veq.s32 v10, v8;
	v10 =	vperm.xlane v9, v1  }
0x8a: {  	vm5 =	vmand vm5, vm0  }
0x8b: {  	v11 =	vperm.xlane v8, v2;
	v10 =	vnsel vm5, $0xFF61B1E6, v10  }
0x8c: {  	v10 =	vmax.f32 v9, v10  }
0x8d: {  	vm5 =	veq.s32 v11, v8;
	v11 =	vperm.xlane v10, v2  }
0x8e: {  	vm5 =	vmand vm5, vm1  }
0x8f: {  	v12 =	vperm.xlane v8, v3;
	v11 =	vnsel vm5, $0xFF61B1E6, v11  }
0x90: {  	v10 =	vmax.f32 v10, v11  }
0x91: {  	vm5 =	veq.s32 v12, v8;
	v11 =	vperm.xlane v10, v3  }
0x92: {  	vm5 =	vmand vm5, vm2  }
0x93: {  	[tilespmem:v8+s12+$0x0] =	vst.idx.add.f32.msk $0xffff, v9;
	v9 =	vperm.xlane v8, v5;
	v11 =	vnsel vm5, $0xFF61B1E6, v11  }
0x94: {  	v10 =	vmax.f32 v10, v11  }
0x95: {  	vm5 =	veq.s32 v9, v8;
	v11 =	vperm.xlane v8, v7;
	v9 =	vperm.xlane v10, v5  }
0x96: {  	vm5 =	vmand vm5, vm3  }
0x97: {  	v9 =	vnsel vm5, $0xFF61B1E6, v9;
	vm5 =	vne.s32 v11, v8  }
0x98: {  	v63 =	vld.idx.msk [tilespmem:v8+s13+$0x0], $0xffff;
	vm5 =	vmor vm5, vm4;
	_ =	sdelay $0x1  }
0x99: {  	s17 =	sadd.s32 $0x10, s9  }
0x9a: {  	v10 =	vmax.f32 v10, v9;
	v9 =	vor.u32 s17, v6;
	_ =	sdelay $0x1  }
0x9b: {  	s18 =	simm.s32 $0x10;
	s19 =	simm.s32 $0x80;
	v10 =	vmax.f32 v63, v10  }
.LBB2_5:
0x9c: {  	s20 =	sshra.s32 s19, $0x2;
	p1 =	seq.s32 s19, $0x14C0;
	s19 =	sadd.s32 $0x40, s19;
	[tilespmem:v8+s13+$0x0] =	vst.idx.msk vm5, v10  }
0x9d: {  	v8 =	vld [tilespmem:s18+$0xC00];
	s18 =	smov.u32 s20  }
0x9e: {  	v9 =	vld.idx.msk [tilespmem:v9+s2+$0x0], $0xffff;
	_ =	sdelay $0x3  }
0x9f: {  	v10 =	vperm.xlane v8, v1;
	v11 =	vperm.xlane v8, v2  }
0xa0: {  	v12 =	vperm.xlane v8, v3;
	v13 =	vperm.xlane v8, v7  }
0xa1: {  	vm5 =	veq.s32 v10, v8;
	v10 =	vperm.xlane v9, v1;
	vm6 =	veq.s32 v11, v8  }
0xa2: {  	vm7 =	veq.s32 v12, v8;
	vm8 =	vne.s32 v13, v8;
	[tilespmem:v8+s12+$0x0] =	vst.idx.add.f32.msk $0xffff, v9;
	vm5 =	vmand vm5, vm0  }
0xa3: {  	v11 =	vperm.xlane v8, v5;
	v10 =	vnsel vm5, $0xFF61B1E6, v10  }
0xa4: {  	v9 =	vmax.f32 v9, v10  }
0xa5: {  	vm9 =	veq.s32 v11, v8;
	v10 =	vperm.xlane v9, v2  }
0xa6: {  	vm5 =	vmand vm6, vm1  }
0xa7: {  	v10 =	vnsel vm5, $0xFF61B1E6, v10  }
0xa8: {  	v9 =	vmax.f32 v9, v10  }
0xa9: {  	v10 =	vperm.xlane v9, v3  }
0xaa: {  	vm5 =	vmand vm7, vm2  }
0xab: {  	v10 =	vnsel vm5, $0xFF61B1E6, v10;
	v11 =	vld.idx.msk [tilespmem:v8+s13+$0x0], $0xffff  }
0xac: {  	vm5 =	vmor vm8, vm4;
	v10 =	vmax.f32 v9, v10  }
.Ltmp6:
0xad: {  	v12 =	vperm.xlane v10, v5;
	(pc) =	sbr.rel @!p1 .LBB2_5-.Ltmp6, $4  }
0xae: {  	s17 =	sadd.s32 $0x10, s17;
	vm6 =	vmand vm9, vm3  }
0xaf: {  	v9 =	vor.u32 s17, v6;
	v12 =	vnsel vm6, $0xFF61B1E6, v12  }
0xb0: {  	v10 =	vmax.f32 v10, v12  }
0xb1: {  	v10 =	vmax.f32 v11, v10  }
.Ltmp7:
0xb2: {  	_ = 	snop;
	(pc) =	sbr.rel .LBB2_6-.Ltmp7, $1  }
0xb3: {  	_ =	sdelay $0x3  }
.LBB2_11:
0xb4: {  	_ =	sfence.sel $0x180000  }
0xb5: {  	[bflag:$0x0] =	sbarrier.arrive $0xFFFF  }
0xb6: {  	p0 =	sne.s32 s0, $0x0;
	_ =	strace $0x9000004A  }
0xb7: {  	s0 =	sadd.s32 @!p0 $0x100000, s1;
	[bflag:$0x2] =	sbarrier.arrive $0xFFFF  }
0xb8: {  	[sflag:s0] =	ssyncadd.tile.s32 @!p0 $0x1;
	_ =	shalt  }
.Lfunc_end2:
_tile_overlayer_lowered:
.L_overlay_start_2:
0xb9: {  	(tag) =	ssettag $0x2  }
0xba: {  	s0 =	rddreg [dreg:$0x0];
	s2 =	stileid.u32  }
0xbb: {  	s1 =	rddreg [dreg:$0x1];
	p0 =	sne.s32 s2, $0x0  }
0xbc: {  	s3 =	rddreg [dreg:$0x2];
	[bflag:$0x3] =	sbarrier.arrive $0xFFFF;
	s2 =	simm.s32 @!p0 $0x1C01  }
0xbd: {  	[timem:s3], [sflag:s2] =	dma.local @!p0 [hbm:s0], s1  }
0xbe: {  	s0 =	simm.s32 @!p0 $0x1  }
0xbf: {  	_ =	swait.ge @!p0 [sflag:s0], s1  }
0xc0: {  	s1 =	ssub.s32 @!p0 $0x0, s1;
	[sflag:s0] =	ssyncset.done @!p0 $0x0  }
0xc1: {  	[sflag:s0] =	ssyncadd.s32 @!p0 s1  }
0xc2: {  	[bflag:$0x3] =	sbarrier.arrive $0xFFFF  }
0xc3: {  	_ =	shalt  }

// kernel: kernel.7.cloned.1.call-start
scs
__scs_entry_jumppad:
0x0: {  	(pc) =	sbr.rel $0x88, $3  }
0x1: {  	(tag) =	ssettag $0x0;
	lr =	simm.s32 $0x1  }
0x2: {  	[smem:$0x3F9E] =	sst lr;
	_ =	strace $0xD0000000  }
0x3: {  	_ = 	snop  }
0x4: {  	_ = 	snop  }
0x5: {  	_ = 	snop  }
0x6: {  	_ = 	snop  }
0x7: {  	_ = 	snop  }
__scs_overlays_trampoline_lowered:
0x8: {  	[smem:$0x3FAD] =	sst s0  }
0x9: {  	[smem:$0x3FAE] =	sst s1  }
0xa: {  	[smem:$0x3FAF] =	sst s2  }
0xb: {  	[smem:$0x3FB0] =	sst s3  }
0xc: {  	[smem:$0x3FB1] =	sst s4  }
0xd: {  	[smem:$0x3FB2] =	sst s5  }
0xe: {  	[smem:$0x3FB3] =	sst s6  }
0xf: {  	[smem:$0x3FB4] =	sst s7  }
0x10: {  	[smem:$0x3FB5] =	sst s8  }
0x11: {  	[smem:$0x3FB6] =	sst s9;
	s0 =	simm.s32 @!p0 $0x0  }
0x12: {  	s1 =	sld [smem:$0x3F9C];
	s0 =	simm.s32 @p0 $0x1  }
0x13: {  	[smem:$0x3FB7] =	sst s0;
	s0 =	simm.s32 @!p1 $0x0  }
0x14: {  	s2 =	sld [smem:$0x3F9B];
	s0 =	simm.s32 @p1 $0x1  }
0x15: {  	[smem:$0x3FB8] =	sst s0;
	s0 =	simm.s32 @!p2 $0x0  }
0x16: {  	s3 =	sld [smem:$0x3FDB];
	s0 =	simm.s32 @p2 $0x1  }
0x17: {  	s4 =	simm.s32 $0x1BF5;
	[smem:$0x3FBA] =	sst s0  }
0x18: {  	s0 =	sld [smem:$0x3F9D];
	_ =	swait.ge [sflag:s4], $0x0  }
0x19: {  	s7 =	sld [smem:$0x3F9E]  }
0x1a: {  	s8 =	sadd.s32 $0xFFFFE003, lr  }
0x1b: {  	s9 =	sadd.s32 $0xFFFFFEF7, lr;
	s5 =	simm.s32 $0xFFFFFFFF;
	p2 =	slt.u32 s8, $0xFFFFF086  }
0x1c: {  	p1 =	slt.u32 s9, $0xF7A;
	s5 =	simm.s32 @!p2 $0x0  }
0x1d: {  	s5 =	simm.s32 @p1 $0x1;
	p0 =	seq.s32 s7, s2  }
0x1e: {  	s7 =	smul.u32 @!p0 $0xF7A, s2;
	p2 =	seq.s32 @!p0 s5, $0x0  }
0x1f: {  	s9 =	smul.u32 $0xF7A, s1;
	s8 =	simm.s32 @!p0 $0x1BF5;
	p2 =	por !p2, p0  }
0x20: {  	[sflag:s8] =	ssyncset.s32 @!p0 $0xFFFFF086;
	s6 =	sadd.s32 @!p0 s3, s7;
	s7 =	simm.s32 @!p0 $0x108  }
0x21: {  	s3 =	sadd.s32 s3, s9;
	s6 =	sadd.s32 @!p0 $0x88, s6;
	s7 =	simm.s32 @p2 $0x1082  }
0x22: {  	[simem:s7], [sflag:s8] =	dma.local @!p0 [hbm:s6], $0xF7A  }
0x23: {  	s9 =	sor.u32 $0xD0000000, s2;
	s6 =	simm.s32 $0x108;
	_ =	swait.ge @!p0 [sflag:s8], $0x0  }
0x24: {  	s3 =	sadd.s32 $0x88, s3;
	s6 =	simm.s32 @!p1 $0x1082;
	[sflag:s4] =	ssyncset.s32 $0xFFFFF086  }
0x25: {  	[simem:s6], [sflag:s4] =	dma.local [hbm:s3], $0xF7A  }
0x26: {  	[smem:$0x3F9E] =	sst s1;
	(tag) =	ssettag s2;
	_ =	strace s9  }
0x27: {  	s1 =	sld [smem:$0x3FAE]  }
0x28: {  	s2 =	sld [smem:$0x3FAF]  }
0x29: {  	s4 =	sld [smem:$0x3FB1]  }
0x2a: {  	p0 =	seq.s32 s5, $0x0;
	s5 =	sld [smem:$0x3FB2]  }
0x2b: {  	s6 =	sld [smem:$0x3FB3]  }
0x2c: {  	s7 =	sld [smem:$0x3FB4]  }
0x2d: {  	s3 =	simm.s32 $0x108;
	s8 =	sld [smem:$0x3FB5]  }
0x2e: {  	s3 =	simm.s32 @!p0 $0x1082;
	s9 =	sld [smem:$0x3FB6]  }
0x2f: {  	lr =	sadd.s32 s0, s3;
	s0 =	sld [smem:$0x3FAD]  }
0x30: {  	s3 =	sld [smem:$0x3FB0]  }
0x31: {  	[smem:$0x3FB9] =	sst s10  }
0x32: {  	s10 =	sld [smem:$0x3FB7];
	_ =	sdelay $0x3  }
0x33: {  	p0 =	seq.s32 s10, $0x1;
	s10 =	sld [smem:$0x3FB9];
	_ =	sdelay $0x3  }
0x34: {  	[smem:$0x3FB9] =	sst s10  }
0x35: {  	s10 =	sld [smem:$0x3FB8];
	_ =	sdelay $0x3  }
0x36: {  	p1 =	seq.s32 s10, $0x1;
	s10 =	sld [smem:$0x3FB9];
	_ =	sdelay $0x3  }
0x37: {  	[smem:$0x3FB9] =	sst s10  }
0x38: {  	s10 =	sld [smem:$0x3FBA]  }
0x39: {  	_ = 	snop;
	(pc) =	sbr.ind lr, $3  }
0x3a: {  	_ = 	snop  }
0x3b: {  	_ = 	snop  }
0x3c: {  	p2 =	seq.s32 s10, $0x1;
	s10 =	sld [smem:$0x3FB9]  }
0x3d: {  	_ =	shalt  }
0x3e: {  	_ =	shalt  }
0x3f: {  	_ =	shalt  }
0x40: {  	_ =	shalt  }
0x41: {  	_ =	shalt  }
0x42: {  	_ =	shalt  }
0x43: {  	_ =	shalt  }
0x44: {  	_ =	shalt  }
0x45: {  	_ =	shalt  }
0x46: {  	_ =	shalt  }
0x47: {  	_ =	shalt  }
0x48: {  	_ =	shalt  }
0x49: {  	_ =	shalt  }
0x4a: {  	_ =	shalt  }
0x4b: {  	_ =	shalt  }
0x4c: {  	_ =	shalt  }
0x4d: {  	_ =	shalt  }
0x4e: {  	_ =	shalt  }
0x4f: {  	_ =	shalt  }
0x50: {  	_ =	shalt  }
0x51: {  	_ =	shalt  }
0x52: {  	_ =	shalt  }
0x53: {  	_ =	shalt  }
0x54: {  	_ =	shalt  }
0x55: {  	_ =	shalt  }
0x56: {  	_ =	shalt  }
0x57: {  	_ =	shalt  }
0x58: {  	_ =	shalt  }
0x59: {  	_ =	shalt  }
0x5a: {  	_ =	shalt  }
0x5b: {  	_ =	shalt  }
0x5c: {  	_ =	shalt  }
0x5d: {  	_ =	shalt  }
0x5e: {  	_ =	shalt  }
0x5f: {  	_ =	shalt  }
0x60: {  	_ =	shalt  }
0x61: {  	_ =	shalt  }
0x62: {  	_ =	shalt  }
0x63: {  	_ =	shalt  }
0x64: {  	_ =	shalt  }
0x65: {  	_ =	shalt  }
0x66: {  	_ =	shalt  }
0x67: {  	_ =	shalt  }
0x68: {  	_ =	shalt  }
0x69: {  	_ =	shalt  }
0x6a: {  	_ =	shalt  }
0x6b: {  	_ =	shalt  }
0x6c: {  	_ =	shalt  }
0x6d: {  	_ =	shalt  }
0x6e: {  	_ =	shalt  }
0x6f: {  	_ =	shalt  }
0x70: {  	_ =	shalt  }
0x71: {  	_ =	shalt  }
0x72: {  	_ =	shalt  }
0x73: {  	_ =	shalt  }
0x74: {  	_ =	shalt  }
0x75: {  	_ =	shalt  }
0x76: {  	_ =	shalt  }
0x77: {  	_ =	shalt  }
0x78: {  	_ =	shalt  }
0x79: {  	_ =	shalt  }
0x7a: {  	_ =	shalt  }
0x7b: {  	_ =	shalt  }
0x7c: {  	_ =	shalt  }
0x7d: {  	_ =	shalt  }
0x7e: {  	_ =	shalt  }
0x7f: {  	_ =	shalt  }
0x80: {  	_ =	shalt  }
0x81: {  	_ =	shalt  }
0x82: {  	_ =	shalt  }
0x83: {  	_ =	shalt  }
0x84: {  	_ =	shalt  }
0x85: {  	_ =	shalt  }
0x86: {  	_ =	shalt  }
0x87: {  	_ =	shalt  }
.Lfunc_end0:
.L_simem_size_0:
called_computation_lowered:
.L_overlay_start_0:
0x88: {  	s2 =	sld [smem:$0x3FD9]  }
0x89: {  	s3 =	sld [smem:$0x3FFE];
	_ =	sdelay $0x1  }
0x8a: {  	s1 =	srdreg.scid  }
0x8b: {  	s0 =	sand.u32 $0x1, s1  }
0x8c: {  	s17 =	sshll.u32 s0, $0xA;
	s2 =	sadd.s32 s3, s2  }
0x8d: {  	s2 =	sadd.s32 s2, s17  }
0x8e: {  	[smem:$0x3FC5] =	sst s2  }
0x8f: {  	_ = 	snop  }
0x90: {  	s2 =	sld [smem:$0x3FC7];
	(tm) =	ssettm $0x1  }
0x91: {  	s18 =	sld [smem:$0x3FFB];
	_ =	sdelay $0x3  }
0x92: {  	_ =	strace s18  }
0x93: {  	s3 =	sld [smem:$0x3FFC];
	_ =	sdelay $0x3  }
0x94: {  	_ =	strace s3  }
0x95: {  	s3 =	sld [smem:$0x3FFD];
	_ =	sdelay $0x3  }
0x96: {  	_ =	strace s3  }
0x97: {  	_ =	strace $0x8FFFFFFF  }
0x98: {  	s19 =	sld [smem:$0x3FDB];
	_ =	sdelay $0x1  }
0x99: {  	s4 =	simm.s32 $_scs_section_size  }
0x9a: {  	s5 =	simm.s32 $_size__tile_overlayer_lowered;
	s6 =	simm.s32 $_tile_overlayer_lowered  }
0x9b: {  	s22 =	simm.s32 $0x1BFF;
	s21 =	sshll.u32 s6, $0x1;
	s3 =	sadd.s32 s4, s19  }
0x9c: {  	s7 =	simm.s32 $0x0;
	s20 =	sshll.u32 s5, $0x1;
	s5 =	sadd.s32 s21, s3  }
0x9d: {  	[timem:s7], [sflag:s22] =	dma.local [hbm:s5], s20  }
0x9e: {  	_ =	swait.ge [sflag:s22], s20  }
0x9f: {  	s4 =	ssub.s32 $0x0, s20;
	[sflag:s22] =	ssyncset.done $0x0  }
0xa0: {  	[sflag:s22] =	ssyncadd.s32 s4;
	_ =	sdelay $0x1  }
0xa1: {  	s23 =	simm.s32 $0x1B8B  }
0xa2: {  	_ =	swait.ge [sflag:s23], $0x1  }
0xa3: {  	[sflag:s23] =	ssyncset.done $0x0  }
0xa4: {  	s25 =	simm.s32 $0x1B8E;
	s24 =	sld [smem:$0x3FFE];
	[sflag:s23] =	ssyncadd.s32 $0xFFFFFFFF  }
0xa5: {  	s26 =	simm.s32 $execute0_lowered;
	[smem:$0x3FD2] =	sst s25  }
0xa6: {  	s5 =	sshll.u32 s26, $0x1;
	_ =	strace $0x80000046;
	[dreg:$0x1] =	wrdreg $0xFFFFFFFF  }
0xa7: {  	s28 =	simm.s32 $_size_execute0_lowered;
	s3 =	sadd.s32 s3, s5;
	[dreg:$0x0] =	wrdreg $0x0  }
0xa8: {  	s5 =	sshll.u32 s28, $0x1;
	[dreg:$0x2] =	wrdreg s3  }
0xa9: {  	[dreg:$0x3] =	wrdreg s5  }
0xaa: {  	[dreg:$0x4] =	wrdreg $0xC0  }
0xab: {  	_ =	task [dreg:s7], $0x5FFFF  }
0xac: {  	[dreg:$0x1] =	wrdreg $0xFFFFFFFF  }
0xad: {  	[dreg:$0x0] =	wrdreg $0x60  }
0xae: {  	[dreg:$0x2] =	wrdreg s24  }
0xaf: {  	[dreg:$0x3] =	wrdreg s2  }
0xb0: {  	[dreg:$0x4] =	wrdreg $0x9  }
0xb1: {  	_ =	task.clear_ibuf [dreg:s7], $0x5FFFF;
	_ =	strace $0x90000046  }
0xb2: {  	s29 =	simm.s32 $0x9;
	_ =	strace $0x80000048  }
0xb3: {  	_ =	swait.ge [sflag:s29], $0x1  }
0xb4: {  	[sflag:s29] =	ssyncadd.s32 $0xFFFFFFFF  }
0xb5: {  	_ =	strace $0x90000048  }
0xb6: {  	_ =	sfence  }
0xb7: {  	s30 =	sld [smem:$0x0];
	_ =	sdelay $0x2  }
0xb8: {  	s31 =	sshll.u32 s1, $0xD;
	s1 =	sshrl.u32 s1, $0x2  }
0xb9: {  	s3 =	sand.u32 $0x4000, s31;
	s1 =	sadd.s32 s1, s30  }
0xba: {  	s0 =	sor.u32 s3, s0;
	s1 =	sshll.u32 s1, $0x11  }
0xbb: {  	s0 =	sor.u32 s1, s0  }
0xbc: {  	s0 =	sadd.s32 $0x8F2B, s0  }
0xbd: {  	[sflag:s0] =	ssyncadd.remote.s32 $0x1  }
0xbe: {  	_ =	sfence.sel $0xFFFF  }
0xbf: {  	[dreg:$0x0] =	wrdreg $0xFFFFFFFF;
	(pc) =	sbr.abs _section_cstart, $3  }
0xc0: {  	[dreg:$0x1] =	wrdreg $0xFFFFFFFF  }
0xc1: {  	_ =	task.clear_ibuf [dreg:s7], $0x2FFFF;
	_ =	strace $0x9FFFFFFF  }
0xc2: {  	(tm) =	ssettm $0x7FFFFFFF  }
0xc3: {  	_ =	shalt  }
tec
execute0_lowered:
.L_overlay_start_1:
0x0: {  	(tag) =	ssettag $0x1  }
0x1: {  	v0 =	vimm.s32 $0xEDCBA987;
	v1 =	vimm.s32 $0x65432100;
	v3 =	vimm.s32 $0xDCBA9876  }
0x2: {  	v4 =	vimm.s32 $0x54321000;
	v5 =	vimm.s32 $0xE40000;
	v0 =	vunpack.c.l.s4.s8 v0  }
0x3: {  	s3 =	rddreg [dreg:$0x0];
	v6 =	vimm.s32 $0xBA987654;
	v8 =	vimm.s32 $0x87654321;
	v1 =	vunpack.c.l.s4.s8 v1  }
0x4: {  	s1 =	srdreg.scid;
	s0 =	stileid.u32;
	vm0 =	vcmask $0x3F30;
	vm1 =	vcmask $0x3F08;
	v2 =	vunpack.c.0.s8.s32 v0  }
0x5: {  	s4 =	rddreg [dreg:$0x1];
	s2 =	simm.s32 $0x0;
	s11 =	simm.s32 $0x1300;
	v3 =	vunpack.c.l.s4.s8 v3;
	v5 =	vunpack.c.l.s2.s4 v5;
	v1 =	vunpack.c.0.s8.s32 v1  }
0x6: {  	vm2 =	vcmask $0x3F10;
	s12 =	simm.s32 $0x1700;
	s13 =	simm.s32 $0x80;
	s14 =	simm.s32 $0x400;
	v4 =	vunpack.c.l.s4.s8 v4;
	v2 =	vand.u32 $0xF, v2  }
0x7: {  	s15 =	simm.s32 $0x0;
	s5 =	sand.u32 $0x1, s1;
	s1 =	rddreg [dreg:$0x2];
	v5 =	vunpack.c.l.s4.s8 v5;
	v1 =	vcombine.low v1, v2;
	v2 =	vunpack.c.0.s8.s32 v3  }
0x8: {  	vm3 =	vcmask $0x3F20;
	s6 =	sshll.u32 s0, $0x1;
	[smem:$0x7FF] =	sst s2;
	s8 =	sshll.u32 s0, $0x8;
	v8 =	vunpack.c.l.s4.s8 v8;
	v4 =	vunpack.c.0.s8.s32 v4  }
0x9: {  	s30 =	sshll.u32 s0, $0x9;
	s6 =	sor.u32 s5, s6;
	s29 =	smul.u32 $0x700, s5;
	v5 =	vunpack.c.0.s8.s32 v5;
	v3 =	vunpack.c.l.s4.s8 v6;
	v2 =	vand.u32 $0xF, v2  }
0xa: {  	s28 =	ssub.s32 $0x2, s5;
	s7 =	smul.u32 $0x700, s6;
	s6 =	sshll.u32 s6, $0x4;
	v6 =	vimm.s32 $0x32100000;
	v2 =	vcombine.low v4, v2;
	v4 =	vimm.s32 $0x7060504  }
0xb: {  	_ =	strace $0x80000047;
	s10 =	sshrl.u32 s28, $0x1;
	s6 =	sor.u32 s8, s6;
	v6 =	vunpack.c.l.s4.s8 v6;
	v7 =	vunpack.c.0.s8.s32 v4;
	v4 =	vimm.s32 $0xFFEDCBA9  }
0xc: {  	vm4 =	vcmask $0x3F3C;
	s8 =	ssub.s32 s28, s10;
	s31 =	ssub.s32 s29, s30;
	s7 =	sshrl.u32 s7, $0x3;
	v3 =	vunpack.c.0.s8.s32 v3;
	v9 =	vunpack.c.l.s4.s8 v4  }
0xd: {  	v8 =	vunpack.c.0.s8.s32 v8;
	s10 =	simm.s32 $0xC00;
	s6 =	sand.u32 $0xC70, s6;
	s9 =	sand.u32 $0x1F80, s7;
	v5 =	vand.u32 $0x3, v5;
	v6 =	vunpack.c.0.s8.s32 v6  }
0xe: {  	s6 =	sadd.s32 s6, s3;
	s4 =	sadd.s32 s4, s7;
	s7 =	smax.u32 s8, $0x1;
	v3 =	vand.u32 $0xF, v3;
	v5 =	vsel vm0, v7, v5;
	v7 =	vunpack.c.0.s8.s32 v9  }
0xf: {  	v0 =	vimm.f32 $0.0e+00;
	s8 =	sand.u32 $0x300, s31;
	s9 =	sadd.s32 s9, s3;
	s5 =	sadd.s32 $0x4000, s6;
	v3 =	vcombine.low v6, v3;
	v4 =	vimm.f32 $-3.000000010e+38  }
0x10: {  	s6 =	sadd.s32 $0x5000, s6;
	s3 =	sadd.s32 $0x2200, s9;
	s9 =	simm.s32 $0x1;
	v6 =	vlaneseq.u32;
	vm0 =	vcmask $0x3F04;
	v7 =	vcombine.low v8, v7  }
.LBB2_1:
0x11: {  	s16 =	simm.s32 $0x40;
	s17 =	simm.s32 $0x0  }
.LBB2_2:
0x12: {  	p0 =	sne.s32 s16, $0xFC0;
	[tilespmem:s17+$0x1300] =	vst v0;
	s18 =	smov.u32 s16;
	s16 =	sadd.s32 $0x40, s16  }
.Ltmp0:
0x13: {  	[tilespmem:s17+$0x1700] =	vst v4;
	(pc) =	sbr.rel @p0 .LBB2_2-.Ltmp0, $2  }
0x14: {  	_ =	sdelay $0x2  }
0x15: {  	s17 =	sshra.s32 s18, $0x2  }
0x16: {  	[tilespmem:s17+$0x1300] =	vst v0  }
0x17: {  	[tilespmem:s17+$0x1700] =	vst v4;
	s16 =	simm.s32 $0x0  }
0x18: {  	[tilespmem:s16], [sflag:$0x1] =	stream.linear.gather [hbm4b:s3+s16], $0xC00, $0x38;
	[tilespmem:$0x1B00] =	vst v63  }
0x19: {  	_ =	swait.ge [sflag:s9], $0xC00  }
0x1a: {  	[sflag:s9] =	ssyncset.done $0x0  }
0x1b: {  	[sflag:s9] =	ssyncadd.s32 $0xFFFFF400  }
0x1c: {  	[tilespmem:s10], [sflag:$0x1] =	stream.linear.gather [hbm4b:s4+s16], $0x700, $0x38;
	[tilespmem:$0x1B00] =	vst v63  }
0x1d: {  	v9 =	vor.u32 s8, v6;
	_ =	swait.ge [sflag:s9], $0x700  }
0x1e: {  	[sflag:s9] =	ssyncset.done $0x0  }
0x1f: {  	s31 =	simm.s32 $0x0;
	[sflag:s9] =	ssyncadd.s32 $0xFFFFF900  }
0x20: {  	v8 =	vld [tilespmem:s31+$0xC00];
	_ =	sdelay $0x1  }
0x21: {  	v9 =	vld.idx.msk [tilespmem:v9+s2+$0x0], $0xffff;
	_ =	sdelay $0x2  }
0x22: {  	v10 =	vperm.xlane v8, v1;
	_ =	sdelay $0x1  }
0x23: {  	vm5 =	veq.s32 v10, v8;
	v10 =	vperm.xlane v9, v1  }
0x24: {  	vm5 =	vmand vm5, vm0  }
0x25: {  	v11 =	vperm.xlane v8, v2;
	v10 =	vnsel vm5, $0xFF61B1E6, v10  }
0x26: {  	v10 =	vmax.f32 v9, v10  }
0x27: {  	vm5 =	veq.s32 v11, v8;
	v11 =	vperm.xlane v10, v2  }
0x28: {  	vm5 =	vmand vm5, vm1  }
0x29: {  	v12 =	vperm.xlane v8, v3;
	v11 =	vnsel vm5, $0xFF61B1E6, v11  }
0x2a: {  	v10 =	vmax.f32 v10, v11  }
0x2b: {  	vm5 =	veq.s32 v12, v8;
	v11 =	vperm.xlane v10, v3  }
0x2c: {  	vm5 =	vmand vm5, vm2  }
0x2d: {  	[tilespmem:v8+s11+$0x0] =	vst.idx.add.f32.msk $0xffff, v9;
	v9 =	vperm.xlane v8, v5;
	v11 =	vnsel vm5, $0xFF61B1E6, v11  }
0x2e: {  	v10 =	vmax.f32 v10, v11  }
0x2f: {  	vm5 =	veq.s32 v9, v8;
	v11 =	vperm.xlane v8, v7;
	v9 =	vperm.xlane v10, v5  }
0x30: {  	vm5 =	vmand vm5, vm3  }
0x31: {  	v9 =	vnsel vm5, $0xFF61B1E6, v9;
	vm5 =	vne.s32 v11, v8  }
0x32: {  	v63 =	vld.idx.msk [tilespmem:v8+s12+$0x0], $0xffff;
	vm5 =	vmor vm5, vm4;
	_ =	sdelay $0x1  }
0x33: {  	s16 =	sadd.s32 $0x10, s8  }
0x34: {  	v10 =	vmax.f32 v10, v9;
	v9 =	vor.u32 s16, v6;
	_ =	sdelay $0x1  }
0x35: {  	s17 =	simm.s32 $0x10;
	s18 =	simm.s32 $0x80;
	v10 =	vmax.f32 v63, v10  }
.LBB2_4:
0x36: {  	s19 =	sshra.s32 s18, $0x2;
	p0 =	sne.s32 s18, $0x1BC0;
	s18 =	sadd.s32 $0x40, s18;
	[tilespmem:v8+s12+$0x0] =	vst.idx.msk vm5, v10  }
0x37: {  	v8 =	vld [tilespmem:s17+$0xC00];
	s17 =	smov.u32 s19  }
0x38: {  	v9 =	vld.idx.msk [tilespmem:v9+s2+$0x0], $0xffff;
	_ =	sdelay $0x3  }
0x39: {  	v10 =	vperm.xlane v8, v1;
	v11 =	vperm.xlane v8, v2  }
0x3a: {  	v12 =	vperm.xlane v8, v3;
	v13 =	vperm.xlane v8, v7  }
0x3b: {  	vm5 =	veq.s32 v10, v8;
	v10 =	vperm.xlane v9, v1;
	vm6 =	veq.s32 v11, v8  }
0x3c: {  	vm7 =	veq.s32 v12, v8;
	vm8 =	vne.s32 v13, v8;
	[tilespmem:v8+s11+$0x0] =	vst.idx.add.f32.msk $0xffff, v9;
	vm5 =	vmand vm5, vm0  }
0x3d: {  	v11 =	vperm.xlane v8, v5;
	v10 =	vnsel vm5, $0xFF61B1E6, v10  }
0x3e: {  	v9 =	vmax.f32 v9, v10  }
0x3f: {  	vm9 =	veq.s32 v11, v8;
	v10 =	vperm.xlane v9, v2  }
0x40: {  	vm5 =	vmand vm6, vm1  }
0x41: {  	v10 =	vnsel vm5, $0xFF61B1E6, v10  }
0x42: {  	v9 =	vmax.f32 v9, v10  }
0x43: {  	v10 =	vperm.xlane v9, v3  }
0x44: {  	vm5 =	vmand vm7, vm2  }
0x45: {  	v10 =	vnsel vm5, $0xFF61B1E6, v10;
	v11 =	vld.idx.msk [tilespmem:v8+s12+$0x0], $0xffff  }
0x46: {  	vm5 =	vmor vm8, vm4;
	v10 =	vmax.f32 v9, v10  }
.Ltmp1:
0x47: {  	v12 =	vperm.xlane v10, v5;
	(pc) =	sbr.rel @p0 .LBB2_4-.Ltmp1, $4  }
0x48: {  	s16 =	sadd.s32 $0x10, s16;
	vm6 =	vmand vm9, vm3  }
0x49: {  	v9 =	vor.u32 s16, v6;
	v12 =	vnsel vm6, $0xFF61B1E6, v12  }
0x4a: {  	v10 =	vmax.f32 v10, v12  }
0x4b: {  	v10 =	vmax.f32 v11, v10  }
0x4c: {  	_ =	sdelay $0x4  }
0x4d: {  	[tilespmem:v8+s12+$0x0] =	vst.idx.msk vm5, v10  }
0x4e: {  	v8 =	vld [tilespmem:s17+$0xC00];
	_ =	sdelay $0x1  }
0x4f: {  	v9 =	vld.idx.msk [tilespmem:v9+s2+$0x0], $0xffff;
	_ =	sdelay $0x2  }
0x50: {  	v55 =	vperm.xlane v8, v1;
	_ =	sdelay $0x1  }
0x51: {  	v56 =	vperm.xlane v9, v1;
	vm5 =	veq.s32 v55, v8  }
0x52: {  	vm5 =	vmand vm5, vm0  }
0x53: {  	v11 =	vperm.xlane v8, v2;
	v10 =	vnsel vm5, $0xFF61B1E6, v56  }
0x54: {  	v10 =	vmax.f32 v9, v10  }
0x55: {  	vm5 =	veq.s32 v11, v8;
	v57 =	vperm.xlane v10, v2  }
0x56: {  	vm5 =	vmand vm5, vm1  }
0x57: {  	v12 =	vperm.xlane v8, v3;
	v11 =	vnsel vm5, $0xFF61B1E6, v57  }
0x58: {  	v10 =	vmax.f32 v10, v11  }
0x59: {  	v58 =	vperm.xlane v8, v7;
	vm5 =	veq.s32 v12, v8;
	v59 =	vperm.xlane v10, v3  }
0x5a: {  	vm5 =	vmand vm5, vm2  }
0x5b: {  	v60 =	vperm.xlane v8, v5;
	vm6 =	vne.s32 v58, v8;
	[tilespmem:v8+s11+$0x0] =	vst.idx.add.f32.msk $0xffff, v9;
	v61 =	vnsel vm5, $0xFF61B1E6, v59  }
0x5c: {  	v62 =	vld.idx.msk [tilespmem:v8+s12+$0x0], $0xffff;
	vm5 =	vmor vm6, vm4;
	v10 =	vmax.f32 v10, v61  }
0x5d: {  	vm6 =	veq.s32 v60, v8;
	v63 =	vperm.xlane v10, v5  }
0x5e: {  	vm6 =	vmand vm6, vm3  }
0x5f: {  	v9 =	vnsel vm6, $0xFF61B1E6, v63  }
0x60: {  	v9 =	vmax.f32 v10, v9  }
0x61: {  	v9 =	vmax.f32 v62, v9  }
0x62: {  	[tilespmem:v8+s12+$0x0] =	vst.idx.msk vm5, v9  }
0x63: {  	[hbm4b:s5+s13] =	stream.strided.scatter [tilespmem:s11], [sflag:$0x1], $0x400, s14, s13, $0x38;
	[tilespmem:$0x1B00] =	vst v63  }
0x64: {  	s15 =	sadd.s32 $0x1, s15;
	_ =	swait.ge [sflag:s9], $0x400  }
0x65: {  	p0 =	sne.s32 s15, s7;
	[sflag:s9] =	ssyncset.done $0x0  }
.Ltmp2:
0x66: {  	[sflag:s9] =	ssyncadd.s32 $0xFFFFFC00;
	(pc) =	sbr.rel @p0 .LBB2_1-.Ltmp2, $4  }
0x67: {  	[hbm4b:s6+s13] =	stream.strided.scatter [tilespmem:s12], [sflag:$0x1], $0x400, s14, s13, $0x38;
	[tilespmem:$0x1B00] =	vst v63  }
0x68: {  	_ =	swait.ge [sflag:s9], $0x400  }
0x69: {  	[sflag:s9] =	ssyncset.done $0x0  }
0x6a: {  	[sflag:s9] =	ssyncadd.s32 $0xFFFFFC00  }
0x6b: {  	_ =	sfence.sel $0x180000  }
0x6c: {  	[bflag:$0x0] =	sbarrier.arrive $0xFFFF  }
0x6d: {  	p0 =	sne.s32 s0, $0x0;
	_ =	strace $0x90000047  }
0x6e: {  	s0 =	sadd.s32 @!p0 $0x100000, s1;
	[bflag:$0x2] =	sbarrier.arrive $0xFFFF  }
0x6f: {  	[sflag:s0] =	ssyncadd.tile.s32 @!p0 $0x1;
	_ =	shalt  }
.Lfunc_end2:
_tile_overlayer_lowered:
.L_overlay_start_2:
0x70: {  	(tag) =	ssettag $0x2  }
0x71: {  	s0 =	rddreg [dreg:$0x0];
	s2 =	stileid.u32  }
0x72: {  	s1 =	rddreg [dreg:$0x1];
	p0 =	sne.s32 s2, $0x0  }
0x73: {  	s3 =	rddreg [dreg:$0x2];
	[bflag:$0x3] =	sbarrier.arrive $0xFFFF;
	s2 =	simm.s32 @!p0 $0x1C01  }
0x74: {  	[timem:s3], [sflag:s2] =	dma.local @!p0 [hbm:s0], s1  }
0x75: {  	s0 =	simm.s32 @!p0 $0x1  }
0x76: {  	_ =	swait.ge @!p0 [sflag:s0], s1  }
0x77: {  	s1 =	ssub.s32 @!p0 $0x0, s1;
	[sflag:s0] =	ssyncset.done @!p0 $0x0  }
0x78: {  	[sflag:s0] =	ssyncadd.s32 @!p0 s1  }
0x79: {  	[bflag:$0x3] =	sbarrier.arrive $0xFFFF  }
0x7a: {  	_ =	shalt  }

</sc_bundles>
